<compile_context>
chip_gen: v7x
topology: tpu7x:2x2x1
jax: 0.10.2.dev20260603
libtpu: 0.0.44.dev20260713+nightly
codegen_flags: <defaults>
</compile_context>

<pallas_src>
import functools

import jax
import jax.numpy as jnp
from jax import lax
from jax.experimental import pallas as pl
from jax.experimental.pallas import tpu as pltpu
from jax.experimental.pallas import tpu_sc as plsc

V = 100000
D = 64
L = 50
B = 1024
EPS = 1e-5

NC = 2
NS = 16
NW = NC * NS
SEQ_PER_W = B // NW
IDX_PER_W = SEQ_PER_W * L
CHUNK = 80
NCHUNK = IDX_PER_W // CHUNK

VT = 2048


def _sc_pool(idx3, table):
    mesh = plsc.VectorSubcoreMesh(core_axis_name="c", subcore_axis_name="s")

    @functools.partial(
        pl.kernel,
        mesh=mesh,
        out_type=jax.ShapeDtypeStruct((B, D), jnp.float32),
        compiler_params=pltpu.CompilerParams(use_tc_tiling_on_sc=False),
        scratch_types=[
            pltpu.VMEM((NCHUNK, CHUNK), jnp.int32),
            pltpu.VMEM((IDX_PER_W, D), jnp.float32),
            pltpu.VMEM((SEQ_PER_W, D), jnp.float32),
            pltpu.SemaphoreType.DMA,
        ],
    )
    def pool(idx_hbm, table_hbm, out_hbm, idx_v, rows_v, out_v, sem):
        wid = lax.axis_index("s") * NC + lax.axis_index("c")
        pltpu.sync_copy(idx_hbm.at[wid], idx_v)
        copies = [
            pltpu.async_copy(
                table_hbm.at[idx_v.at[j]],
                rows_v.at[pl.ds(j * CHUNK, CHUNK)],
                sem,
            )
            for j in range(NCHUNK)
        ]
        for cp in copies:
            cp.wait()

        def seq_body(sq, carry):
            base = sq * L
            accs = tuple(jnp.zeros((16,), jnp.float32) for _ in range(D // 16))
            def l_body(l, a):
                r = base + l
                return tuple(a[d] + rows_v[r, pl.ds(d * 16, 16)]
                             for d in range(D // 16))
            accs = lax.fori_loop(0, L, l_body, accs)
            for d in range(D // 16):
                out_v[sq, pl.ds(d * 16, 16)] = accs[d] * (1.0 / L)
            return carry

        lax.fori_loop(0, SEQ_PER_W, seq_body, 0)
        pltpu.sync_copy(out_v, out_hbm.at[pl.ds(wid * SEQ_PER_W, SEQ_PER_W)])

    return pool(idx3, table)


def _tc_decode(pooled, pos_p, gb, W, b):
    grid = pl.cdiv(V, VT)

    def body(pooled_ref, pos_ref, gb_ref, w_ref, b_ref, out_ref, normed_ref):
        @pl.when(pl.program_id(0) == 0)
        def _():
            pos_mean = jnp.sum(pos_ref[...], axis=0) * (1.0 / L)
            p = pooled_ref[...] + pos_mean[None, :]
            mu = jnp.mean(p, axis=1, keepdims=True)
            var = jnp.mean(jnp.square(p - mu), axis=1, keepdims=True)
            inv = lax.rsqrt(var + EPS)
            normed_ref[...] = ((p - mu) * inv * gb_ref[0][None, :]
                               + gb_ref[1][None, :])

        out_ref[...] = (
            jnp.dot(normed_ref[...], w_ref[...],
                    preferred_element_type=jnp.float32)
            + b_ref[...][None, :]
        )

    return pl.pallas_call(
        body,
        grid=(grid,),
        in_specs=[
            pl.BlockSpec((B, D), lambda j: (0, 0)),
            pl.BlockSpec((56, D), lambda j: (0, 0)),
            pl.BlockSpec((8, D), lambda j: (0, 0)),
            pl.BlockSpec((D, VT), lambda j: (0, j)),
            pl.BlockSpec((VT,), lambda j: (j,)),
        ],
        out_specs=pl.BlockSpec((B, VT), lambda j: (0, j)),
        out_shape=jax.ShapeDtypeStruct((B, V), jnp.float32),
        scratch_shapes=[pltpu.VMEM((B, D), jnp.float32)],
        compiler_params=pltpu.CompilerParams(
            dimension_semantics=("arbitrary",),
        ),
    )(pooled, pos_p, gb, W, b)


def kernel(x, token_emb, pos_emb, gamma, beta, W, b):
    idx3 = x.astype(jnp.int32).reshape(NW, NCHUNK, CHUNK)
    pooled = _sc_pool(idx3, token_emb)
    pos_p = jnp.pad(pos_emb, ((0, 56 - L), (0, 0)))
    gb = jnp.concatenate(
        [gamma[None, :], beta[None, :], jnp.zeros((6, D), jnp.float32)], axis=0)
    return _tc_decode(pooled, pos_p, gb, W, b)

# --- scband reference (transcript-rebuilt; emitter-appended) ---
"""Pipeline reference for scband-baseline-model-73950746902591 (READ-ONLY COPY).

The authoritative reference and input builder live on the scoring server;
editing this copy changes nothing except your own understanding.
"""

import jax, jax.numpy as jnp
import numpy as np

V = 100000
D = 64
L = 50
B = 1024
EPS = 1e-5


def setup_inputs(seed: int = 0) -> dict:
    key = jax.random.key(seed)
    k1, k2, k3, k4 = jax.random.split(key, 4)
    x = jax.random.randint(k1, (B, L), 0, V)
    token_emb = jax.random.normal(k2, (V, D), dtype=jnp.float32) * 0.02
    pos_emb = jax.random.normal(k3, (L, D), dtype=jnp.float32) * 0.02
    gamma = jnp.ones((D,), dtype=jnp.float32)
    beta = jnp.zeros((D,), dtype=jnp.float32)
    # xavier_uniform with gain=0.1 for decoder weight [V, D] in torch -> used as pooled @ W.T; store as [D, V]
    limit = 0.1 * np.sqrt(6.0 / (V + D))
    W = jax.random.uniform(k4, (D, V), dtype=jnp.float32, minval=-limit, maxval=limit)
    b = jnp.zeros((V,), dtype=jnp.float32)
    return {"x": x, "token_emb": token_emb, "pos_emb": pos_emb, "gamma": gamma, "beta": beta, "W": W, "b": b}


def reference(x, token_emb, pos_emb, gamma, beta, W, b):
    seq_len = x.shape[1]
    tok = jnp.take(token_emb, x, axis=0)              # (B, L, D) embedding gather
    positions = jnp.arange(seq_len)
    pos = jnp.take(pos_emb, positions, axis=0)        # (L, D)
    state = tok + pos[None, :, :]
    pooled = jnp.mean(state, axis=1)                  # mean pool (pool_mode='mean')
    mu = jnp.mean(pooled, axis=-1, keepdims=True)
    var = jnp.var(pooled, axis=-1, keepdims=True)
    normed = (pooled - mu) / jnp.sqrt(var + EPS) * gamma + beta
    logits = normed @ W + b                           # (B, V)
    return logits

if __name__ == "__main__":
    import jax
    _d = setup_inputs()
    print(jax.jit(kernel)(*tuple(_d.values())))

</pallas_src>

<mosaic_0001>
#map = affine_map<(d0, d1) -> (0, 0, 0)>
#map1 = affine_map<(d0, d1) -> (0, 0)>
module attributes {stable_mosaic.version = 14 : i64} {
  func.func @pool(%arg0: i32, %arg1: i32, %arg2: memref<32x20x80xi32, #tpu.memory_space<hbm>>, %arg3: memref<100000x64xf32, #tpu.memory_space<hbm>>, %arg4: memref<1024x64xf32, #tpu.memory_space<hbm>>, %arg5: memref<20x80xi32, #tpu.memory_space<vmem>>, %arg6: memref<1600x64xf32, #tpu.memory_space<vmem>>, %arg7: memref<32x64xf32, #tpu.memory_space<vmem>>, %arg8: memref<!tpu.dma_semaphore, #tpu.memory_space<semaphore_mem>>) attributes {dimension_semantics = [#tpu.dimension_semantics<core_parallel>, #tpu.dimension_semantics<subcore_parallel>], iteration_bounds = array<i64: 2, 16>, scalar_prefetch = 0 : i64, scratch_operands = 4 : i64, tpu.core_type = #tpu.core_type<sc_vector_subcore>, window_params = [{transform_indices = #map}, {transform_indices = #map1}, {transform_indices = #map1}]} {
    %mul3A = arith.constant 2 : i32
    %mul3A_0 = arith.muli %arg1, %mul3A : i32
    %add3A = arith.addi %mul3A_0, %arg0 : i32
    "tpu.region"() ({
      %run_scoped3A = tpu.sem_alloc : memref<!tpu.dma_semaphore, #tpu.memory_space<semaphore_mem>>
      %dma_start3A_406 = arith.constant 0 : i32
      %dma_start3A_407 = arith.constant 0 : i32
      %dma_start3A_408 = tpu.memref_slice %arg2[%add3A, %dma_start3A_406, %dma_start3A_407] : memref<32x20x80xi32, #tpu.memory_space<hbm>> -> memref<1x20x80xi32, #tpu.memory_space<hbm>>
      %dma_start3A_409 = tpu.memref_squeeze %dma_start3A_408 : memref<1x20x80xi32, #tpu.memory_space<hbm>> -> memref<20x80xi32, #tpu.memory_space<hbm>>
      %dma_start3A_410 = arith.constant 0 : i32
      %dma_start3A_411 = arith.constant 0 : i32
      %dma_start3A_412 = tpu.memref_slice %arg2[%add3A, %dma_start3A_410, %dma_start3A_411] : memref<32x20x80xi32, #tpu.memory_space<hbm>> -> memref<1x20x80xi32, #tpu.memory_space<hbm>>
      %dma_start3A_413 = tpu.memref_squeeze %dma_start3A_412 : memref<1x20x80xi32, #tpu.memory_space<hbm>> -> memref<20x80xi32, #tpu.memory_space<hbm>>
      tpu.enqueue_dma source(%dma_start3A_413 : memref<20x80xi32, #tpu.memory_space<hbm>>) target(%arg5 : memref<20x80xi32, #tpu.memory_space<vmem>>) target_semaphore(%run_scoped3A : memref<!tpu.dma_semaphore, #tpu.memory_space<semaphore_mem>>)
      %dma_wait3A_414 = arith.constant 0 : i32
      %dma_wait3A_415 = arith.constant 0 : i32
      %dma_wait3A_416 = tpu.memref_slice %arg2[%add3A, %dma_wait3A_414, %dma_wait3A_415] : memref<32x20x80xi32, #tpu.memory_space<hbm>> -> memref<1x20x80xi32, #tpu.memory_space<hbm>>
      %dma_wait3A_417 = tpu.memref_squeeze %dma_wait3A_416 : memref<1x20x80xi32, #tpu.memory_space<hbm>> -> memref<20x80xi32, #tpu.memory_space<hbm>>
      %dma_wait3A_418 = arith.constant 0 : i32
      %dma_wait3A_419 = arith.constant 0 : i32
      %dma_wait3A_420 = tpu.memref_slice %arg2[%add3A, %dma_wait3A_418, %dma_wait3A_419] : memref<32x20x80xi32, #tpu.memory_space<hbm>> -> memref<1x20x80xi32, #tpu.memory_space<hbm>>
      %dma_wait3A_421 = tpu.memref_squeeze %dma_wait3A_420 : memref<1x20x80xi32, #tpu.memory_space<hbm>> -> memref<20x80xi32, #tpu.memory_space<hbm>>
      tpu.wait_dma2 semaphore(%run_scoped3A : memref<!tpu.dma_semaphore, #tpu.memory_space<semaphore_mem>>) src(%dma_wait3A_421 : memref<20x80xi32, #tpu.memory_space<hbm>>) dst(%arg5 : memref<20x80xi32, #tpu.memory_space<vmem>>)
      tpu.yield
    }) : () -> ()
    %dma_start3A = arith.constant 0 : i32
    %dma_start3A_1 = arith.constant 0 : i32
    %dma_start3A_2 = arith.constant 0 : i32
    %dma_start3A_3 = tpu.memref_slice %arg6[%dma_start3A_1, %dma_start3A_2] : memref<1600x64xf32, #tpu.memory_space<vmem>> -> memref<80x64xf32, #tpu.memory_space<vmem>>
    %dma_start3A_4 = arith.constant 0 : i32
    %dma_start3A_5 = tpu.memref_slice %arg5[%dma_start3A, %dma_start3A_4] : memref<20x80xi32, #tpu.memory_space<vmem>> -> memref<1x80xi32, #tpu.memory_space<vmem>>
    %dma_start3A_6 = tpu.memref_squeeze %dma_start3A_5 : memref<1x80xi32, #tpu.memory_space<vmem>> -> memref<80xi32, #tpu.memory_space<vmem>>
    %dma_start3A_7 = arith.constant 0 : i32
    %dma_start3A_8 = arith.constant 0 : i32
    %dma_start3A_9 = tpu.memref_slice %arg3[%dma_start3A_7, %dma_start3A_8] : memref<100000x64xf32, #tpu.memory_space<hbm>> -> memref<100000x64xf32, #tpu.memory_space<hbm>>
    tpu.enqueue_indirect_dma source(%dma_start3A_9 : memref<100000x64xf32, #tpu.memory_space<hbm>>) target(%dma_start3A_3 : memref<80x64xf32, #tpu.memory_space<vmem>>) offsets(%dma_start3A_6 : memref<80xi32, #tpu.memory_space<vmem>>) semaphore(%arg8 : memref<!tpu.dma_semaphore, #tpu.memory_space<semaphore_mem>>)
    %dma_start3A_10 = arith.constant 1 : i32
    %dma_start3A_11 = arith.constant 80 : i32
    %dma_start3A_12 = arith.constant 0 : i32
    %dma_start3A_13 = tpu.memref_slice %arg6[%dma_start3A_11, %dma_start3A_12] : memref<1600x64xf32, #tpu.memory_space<vmem>> -> memref<80x64xf32, #tpu.memory_space<vmem>>
    %dma_start3A_14 = arith.constant 0 : i32
    %dma_start3A_15 = tpu.memref_slice %arg5[%dma_start3A_10, %dma_start3A_14] : memref<20x80xi32, #tpu.memory_space<vmem>> -> memref<1x80xi32, #tpu.memory_space<vmem>>
    %dma_start3A_16 = tpu.memref_squeeze %dma_start3A_15 : memref<1x80xi32, #tpu.memory_space<vmem>> -> memref<80xi32, #tpu.memory_space<vmem>>
    %dma_start3A_17 = arith.constant 0 : i32
    %dma_start3A_18 = arith.constant 0 : i32
    %dma_start3A_19 = tpu.memref_slice %arg3[%dma_start3A_17, %dma_start3A_18] : memref<100000x64xf32, #tpu.memory_space<hbm>> -> memref<100000x64xf32, #tpu.memory_space<hbm>>
    tpu.enqueue_indirect_dma source(%dma_start3A_19 : memref<100000x64xf32, #tpu.memory_space<hbm>>) target(%dma_start3A_13 : memref<80x64xf32, #tpu.memory_space<vmem>>) offsets(%dma_start3A_16 : memref<80xi32, #tpu.memory_space<vmem>>) semaphore(%arg8 : memref<!tpu.dma_semaphore, #tpu.memory_space<semaphore_mem>>)
    %dma_start3A_20 = arith.constant 2 : i32
    %dma_start3A_21 = arith.constant 160 : i32
    %dma_start3A_22 = arith.constant 0 : i32
    %dma_start3A_23 = tpu.memref_slice %arg6[%dma_start3A_21, %dma_start3A_22] : memref<1600x64xf32, #tpu.memory_space<vmem>> -> memref<80x64xf32, #tpu.memory_space<vmem>>
    %dma_start3A_24 = arith.constant 0 : i32
    %dma_start3A_25 = tpu.memref_slice %arg5[%dma_start3A_20, %dma_start3A_24] : memref<20x80xi32, #tpu.memory_space<vmem>> -> memref<1x80xi32, #tpu.memory_space<vmem>>
    %dma_start3A_26 = tpu.memref_squeeze %dma_start3A_25 : memref<1x80xi32, #tpu.memory_space<vmem>> -> memref<80xi32, #tpu.memory_space<vmem>>
    %dma_start3A_27 = arith.constant 0 : i32
    %dma_start3A_28 = arith.constant 0 : i32
    %dma_start3A_29 = tpu.memref_slice %arg3[%dma_start3A_27, %dma_start3A_28] : memref<100000x64xf32, #tpu.memory_space<hbm>> -> memref<100000x64xf32, #tpu.memory_space<hbm>>
    tpu.enqueue_indirect_dma source(%dma_start3A_29 : memref<100000x64xf32, #tpu.memory_space<hbm>>) target(%dma_start3A_23 : memref<80x64xf32, #tpu.memory_space<vmem>>) offsets(%dma_start3A_26 : memref<80xi32, #tpu.memory_space<vmem>>) semaphore(%arg8 : memref<!tpu.dma_semaphore, #tpu.memory_space<semaphore_mem>>)
    %dma_start3A_30 = arith.constant 3 : i32
    %dma_start3A_31 = arith.constant 240 : i32
    %dma_start3A_32 = arith.constant 0 : i32
    %dma_start3A_33 = tpu.memref_slice %arg6[%dma_start3A_31, %dma_start3A_32] : memref<1600x64xf32, #tpu.memory_space<vmem>> -> memref<80x64xf32, #tpu.memory_space<vmem>>
    %dma_start3A_34 = arith.constant 0 : i32
    %dma_start3A_35 = tpu.memref_slice %arg5[%dma_start3A_30, %dma_start3A_34] : memref<20x80xi32, #tpu.memory_space<vmem>> -> memref<1x80xi32, #tpu.memory_space<vmem>>
    %dma_start3A_36 = tpu.memref_squeeze %dma_start3A_35 : memref<1x80xi32, #tpu.memory_space<vmem>> -> memref<80xi32, #tpu.memory_space<vmem>>
    %dma_start3A_37 = arith.constant 0 : i32
    %dma_start3A_38 = arith.constant 0 : i32
    %dma_start3A_39 = tpu.memref_slice %arg3[%dma_start3A_37, %dma_start3A_38] : memref<100000x64xf32, #tpu.memory_space<hbm>> -> memref<100000x64xf32, #tpu.memory_space<hbm>>
    tpu.enqueue_indirect_dma source(%dma_start3A_39 : memref<100000x64xf32, #tpu.memory_space<hbm>>) target(%dma_start3A_33 : memref<80x64xf32, #tpu.memory_space<vmem>>) offsets(%dma_start3A_36 : memref<80xi32, #tpu.memory_space<vmem>>) semaphore(%arg8 : memref<!tpu.dma_semaphore, #tpu.memory_space<semaphore_mem>>)
    %dma_start3A_40 = arith.constant 4 : i32
    %dma_start3A_41 = arith.constant 320 : i32
    %dma_start3A_42 = arith.constant 0 : i32
    %dma_start3A_43 = tpu.memref_slice %arg6[%dma_start3A_41, %dma_start3A_42] : memref<1600x64xf32, #tpu.memory_space<vmem>> -> memref<80x64xf32, #tpu.memory_space<vmem>>
    %dma_start3A_44 = arith.constant 0 : i32
    %dma_start3A_45 = tpu.memref_slice %arg5[%dma_start3A_40, %dma_start3A_44] : memref<20x80xi32, #tpu.memory_space<vmem>> -> memref<1x80xi32, #tpu.memory_space<vmem>>
    %dma_start3A_46 = tpu.memref_squeeze %dma_start3A_45 : memref<1x80xi32, #tpu.memory_space<vmem>> -> memref<80xi32, #tpu.memory_space<vmem>>
    %dma_start3A_47 = arith.constant 0 : i32
    %dma_start3A_48 = arith.constant 0 : i32
    %dma_start3A_49 = tpu.memref_slice %arg3[%dma_start3A_47, %dma_start3A_48] : memref<100000x64xf32, #tpu.memory_space<hbm>> -> memref<100000x64xf32, #tpu.memory_space<hbm>>
    tpu.enqueue_indirect_dma source(%dma_start3A_49 : memref<100000x64xf32, #tpu.memory_space<hbm>>) target(%dma_start3A_43 : memref<80x64xf32, #tpu.memory_space<vmem>>) offsets(%dma_start3A_46 : memref<80xi32, #tpu.memory_space<vmem>>) semaphore(%arg8 : memref<!tpu.dma_semaphore, #tpu.memory_space<semaphore_mem>>)
    %dma_start3A_50 = arith.constant 5 : i32
    %dma_start3A_51 = arith.constant 400 : i32
    %dma_start3A_52 = arith.constant 0 : i32
    %dma_start3A_53 = tpu.memref_slice %arg6[%dma_start3A_51, %dma_start3A_52] : memref<1600x64xf32, #tpu.memory_space<vmem>> -> memref<80x64xf32, #tpu.memory_space<vmem>>
    %dma_start3A_54 = arith.constant 0 : i32
    %dma_start3A_55 = tpu.memref_slice %arg5[%dma_start3A_50, %dma_start3A_54] : memref<20x80xi32, #tpu.memory_space<vmem>> -> memref<1x80xi32, #tpu.memory_space<vmem>>
    %dma_start3A_56 = tpu.memref_squeeze %dma_start3A_55 : memref<1x80xi32, #tpu.memory_space<vmem>> -> memref<80xi32, #tpu.memory_space<vmem>>
    %dma_start3A_57 = arith.constant 0 : i32
    %dma_start3A_58 = arith.constant 0 : i32
    %dma_start3A_59 = tpu.memref_slice %arg3[%dma_start3A_57, %dma_start3A_58] : memref<100000x64xf32, #tpu.memory_space<hbm>> -> memref<100000x64xf32, #tpu.memory_space<hbm>>
    tpu.enqueue_indirect_dma source(%dma_start3A_59 : memref<100000x64xf32, #tpu.memory_space<hbm>>) target(%dma_start3A_53 : memref<80x64xf32, #tpu.memory_space<vmem>>) offsets(%dma_start3A_56 : memref<80xi32, #tpu.memory_space<vmem>>) semaphore(%arg8 : memref<!tpu.dma_semaphore, #tpu.memory_space<semaphore_mem>>)
    %dma_start3A_60 = arith.constant 6 : i32
    %dma_start3A_61 = arith.constant 480 : i32
    %dma_start3A_62 = arith.constant 0 : i32
    %dma_start3A_63 = tpu.memref_slice %arg6[%dma_start3A_61, %dma_start3A_62] : memref<1600x64xf32, #tpu.memory_space<vmem>> -> memref<80x64xf32, #tpu.memory_space<vmem>>
    %dma_start3A_64 = arith.constant 0 : i32
    %dma_start3A_65 = tpu.memref_slice %arg5[%dma_start3A_60, %dma_start3A_64] : memref<20x80xi32, #tpu.memory_space<vmem>> -> memref<1x80xi32, #tpu.memory_space<vmem>>
    %dma_start3A_66 = tpu.memref_squeeze %dma_start3A_65 : memref<1x80xi32, #tpu.memory_space<vmem>> -> memref<80xi32, #tpu.memory_space<vmem>>
    %dma_start3A_67 = arith.constant 0 : i32
    %dma_start3A_68 = arith.constant 0 : i32
    %dma_start3A_69 = tpu.memref_slice %arg3[%dma_start3A_67, %dma_start3A_68] : memref<100000x64xf32, #tpu.memory_space<hbm>> -> memref<100000x64xf32, #tpu.memory_space<hbm>>
    tpu.enqueue_indirect_dma source(%dma_start3A_69 : memref<100000x64xf32, #tpu.memory_space<hbm>>) target(%dma_start3A_63 : memref<80x64xf32, #tpu.memory_space<vmem>>) offsets(%dma_start3A_66 : memref<80xi32, #tpu.memory_space<vmem>>) semaphore(%arg8 : memref<!tpu.dma_semaphore, #tpu.memory_space<semaphore_mem>>)
    %dma_start3A_70 = arith.constant 7 : i32
    %dma_start3A_71 = arith.constant 560 : i32
    %dma_start3A_72 = arith.constant 0 : i32
    %dma_start3A_73 = tpu.memref_slice %arg6[%dma_start3A_71, %dma_start3A_72] : memref<1600x64xf32, #tpu.memory_space<vmem>> -> memref<80x64xf32, #tpu.memory_space<vmem>>
    %dma_start3A_74 = arith.constant 0 : i32
    %dma_start3A_75 = tpu.memref_slice %arg5[%dma_start3A_70, %dma_start3A_74] : memref<20x80xi32, #tpu.memory_space<vmem>> -> memref<1x80xi32, #tpu.memory_space<vmem>>
    %dma_start3A_76 = tpu.memref_squeeze %dma_start3A_75 : memref<1x80xi32, #tpu.memory_space<vmem>> -> memref<80xi32, #tpu.memory_space<vmem>>
    %dma_start3A_77 = arith.constant 0 : i32
    %dma_start3A_78 = arith.constant 0 : i32
    %dma_start3A_79 = tpu.memref_slice %arg3[%dma_start3A_77, %dma_start3A_78] : memref<100000x64xf32, #tpu.memory_space<hbm>> -> memref<100000x64xf32, #tpu.memory_space<hbm>>
    tpu.enqueue_indirect_dma source(%dma_start3A_79 : memref<100000x64xf32, #tpu.memory_space<hbm>>) target(%dma_start3A_73 : memref<80x64xf32, #tpu.memory_space<vmem>>) offsets(%dma_start3A_76 : memref<80xi32, #tpu.memory_space<vmem>>) semaphore(%arg8 : memref<!tpu.dma_semaphore, #tpu.memory_space<semaphore_mem>>)
    %dma_start3A_80 = arith.constant 8 : i32
    %dma_start3A_81 = arith.constant 640 : i32
    %dma_start3A_82 = arith.constant 0 : i32
    %dma_start3A_83 = tpu.memref_slice %arg6[%dma_start3A_81, %dma_start3A_82] : memref<1600x64xf32, #tpu.memory_space<vmem>> -> memref<80x64xf32, #tpu.memory_space<vmem>>
    %dma_start3A_84 = arith.constant 0 : i32
    %dma_start3A_85 = tpu.memref_slice %arg5[%dma_start3A_80, %dma_start3A_84] : memref<20x80xi32, #tpu.memory_space<vmem>> -> memref<1x80xi32, #tpu.memory_space<vmem>>
    %dma_start3A_86 = tpu.memref_squeeze %dma_start3A_85 : memref<1x80xi32, #tpu.memory_space<vmem>> -> memref<80xi32, #tpu.memory_space<vmem>>
    %dma_start3A_87 = arith.constant 0 : i32
    %dma_start3A_88 = arith.constant 0 : i32
    %dma_start3A_89 = tpu.memref_slice %arg3[%dma_start3A_87, %dma_start3A_88] : memref<100000x64xf32, #tpu.memory_space<hbm>> -> memref<100000x64xf32, #tpu.memory_space<hbm>>
    tpu.enqueue_indirect_dma source(%dma_start3A_89 : memref<100000x64xf32, #tpu.memory_space<hbm>>) target(%dma_start3A_83 : memref<80x64xf32, #tpu.memory_space<vmem>>) offsets(%dma_start3A_86 : memref<80xi32, #tpu.memory_space<vmem>>) semaphore(%arg8 : memref<!tpu.dma_semaphore, #tpu.memory_space<semaphore_mem>>)
    %dma_start3A_90 = arith.constant 9 : i32
    %dma_start3A_91 = arith.constant 720 : i32
    %dma_start3A_92 = arith.constant 0 : i32
    %dma_start3A_93 = tpu.memref_slice %arg6[%dma_start3A_91, %dma_start3A_92] : memref<1600x64xf32, #tpu.memory_space<vmem>> -> memref<80x64xf32, #tpu.memory_space<vmem>>
    %dma_start3A_94 = arith.constant 0 : i32
    %dma_start3A_95 = tpu.memref_slice %arg5[%dma_start3A_90, %dma_start3A_94] : memref<20x80xi32, #tpu.memory_space<vmem>> -> memref<1x80xi32, #tpu.memory_space<vmem>>
    %dma_start3A_96 = tpu.memref_squeeze %dma_start3A_95 : memref<1x80xi32, #tpu.memory_space<vmem>> -> memref<80xi32, #tpu.memory_space<vmem>>
    %dma_start3A_97 = arith.constant 0 : i32
    %dma_start3A_98 = arith.constant 0 : i32
    %dma_start3A_99 = tpu.memref_slice %arg3[%dma_start3A_97, %dma_start3A_98] : memref<100000x64xf32, #tpu.memory_space<hbm>> -> memref<100000x64xf32, #tpu.memory_space<hbm>>
    tpu.enqueue_indirect_dma source(%dma_start3A_99 : memref<100000x64xf32, #tpu.memory_space<hbm>>) target(%dma_start3A_93 : memref<80x64xf32, #tpu.memory_space<vmem>>) offsets(%dma_start3A_96 : memref<80xi32, #tpu.memory_space<vmem>>) semaphore(%arg8 : memref<!tpu.dma_semaphore, #tpu.memory_space<semaphore_mem>>)
    %dma_start3A_100 = arith.constant 10 : i32
    %dma_start3A_101 = arith.constant 800 : i32
    %dma_start3A_102 = arith.constant 0 : i32
    %dma_start3A_103 = tpu.memref_slice %arg6[%dma_start3A_101, %dma_start3A_102] : memref<1600x64xf32, #tpu.memory_space<vmem>> -> memref<80x64xf32, #tpu.memory_space<vmem>>
    %dma_start3A_104 = arith.constant 0 : i32
    %dma_start3A_105 = tpu.memref_slice %arg5[%dma_start3A_100, %dma_start3A_104] : memref<20x80xi32, #tpu.memory_space<vmem>> -> memref<1x80xi32, #tpu.memory_space<vmem>>
    %dma_start3A_106 = tpu.memref_squeeze %dma_start3A_105 : memref<1x80xi32, #tpu.memory_space<vmem>> -> memref<80xi32, #tpu.memory_space<vmem>>
    %dma_start3A_107 = arith.constant 0 : i32
    %dma_start3A_108 = arith.constant 0 : i32
    %dma_start3A_109 = tpu.memref_slice %arg3[%dma_start3A_107, %dma_start3A_108] : memref<100000x64xf32, #tpu.memory_space<hbm>> -> memref<100000x64xf32, #tpu.memory_space<hbm>>
    tpu.enqueue_indirect_dma source(%dma_start3A_109 : memref<100000x64xf32, #tpu.memory_space<hbm>>) target(%dma_start3A_103 : memref<80x64xf32, #tpu.memory_space<vmem>>) offsets(%dma_start3A_106 : memref<80xi32, #tpu.memory_space<vmem>>) semaphore(%arg8 : memref<!tpu.dma_semaphore, #tpu.memory_space<semaphore_mem>>)
    %dma_start3A_110 = arith.constant 11 : i32
    %dma_start3A_111 = arith.constant 880 : i32
    %dma_start3A_112 = arith.constant 0 : i32
    %dma_start3A_113 = tpu.memref_slice %arg6[%dma_start3A_111, %dma_start3A_112] : memref<1600x64xf32, #tpu.memory_space<vmem>> -> memref<80x64xf32, #tpu.memory_space<vmem>>
    %dma_start3A_114 = arith.constant 0 : i32
    %dma_start3A_115 = tpu.memref_slice %arg5[%dma_start3A_110, %dma_start3A_114] : memref<20x80xi32, #tpu.memory_space<vmem>> -> memref<1x80xi32, #tpu.memory_space<vmem>>
    %dma_start3A_116 = tpu.memref_squeeze %dma_start3A_115 : memref<1x80xi32, #tpu.memory_space<vmem>> -> memref<80xi32, #tpu.memory_space<vmem>>
    %dma_start3A_117 = arith.constant 0 : i32
    %dma_start3A_118 = arith.constant 0 : i32
    %dma_start3A_119 = tpu.memref_slice %arg3[%dma_start3A_117, %dma_start3A_118] : memref<100000x64xf32, #tpu.memory_space<hbm>> -> memref<100000x64xf32, #tpu.memory_space<hbm>>
    tpu.enqueue_indirect_dma source(%dma_start3A_119 : memref<100000x64xf32, #tpu.memory_space<hbm>>) target(%dma_start3A_113 : memref<80x64xf32, #tpu.memory_space<vmem>>) offsets(%dma_start3A_116 : memref<80xi32, #tpu.memory_space<vmem>>) semaphore(%arg8 : memref<!tpu.dma_semaphore, #tpu.memory_space<semaphore_mem>>)
    %dma_start3A_120 = arith.constant 12 : i32
    %dma_start3A_121 = arith.constant 960 : i32
    %dma_start3A_122 = arith.constant 0 : i32
    %dma_start3A_123 = tpu.memref_slice %arg6[%dma_start3A_121, %dma_start3A_122] : memref<1600x64xf32, #tpu.memory_space<vmem>> -> memref<80x64xf32, #tpu.memory_space<vmem>>
    %dma_start3A_124 = arith.constant 0 : i32
    %dma_start3A_125 = tpu.memref_slice %arg5[%dma_start3A_120, %dma_start3A_124] : memref<20x80xi32, #tpu.memory_space<vmem>> -> memref<1x80xi32, #tpu.memory_space<vmem>>
    %dma_start3A_126 = tpu.memref_squeeze %dma_start3A_125 : memref<1x80xi32, #tpu.memory_space<vmem>> -> memref<80xi32, #tpu.memory_space<vmem>>
    %dma_start3A_127 = arith.constant 0 : i32
    %dma_start3A_128 = arith.constant 0 : i32
    %dma_start3A_129 = tpu.memref_slice %arg3[%dma_start3A_127, %dma_start3A_128] : memref<100000x64xf32, #tpu.memory_space<hbm>> -> memref<100000x64xf32, #tpu.memory_space<hbm>>
    tpu.enqueue_indirect_dma source(%dma_start3A_129 : memref<100000x64xf32, #tpu.memory_space<hbm>>) target(%dma_start3A_123 : memref<80x64xf32, #tpu.memory_space<vmem>>) offsets(%dma_start3A_126 : memref<80xi32, #tpu.memory_space<vmem>>) semaphore(%arg8 : memref<!tpu.dma_semaphore, #tpu.memory_space<semaphore_mem>>)
    %dma_start3A_130 = arith.constant 13 : i32
    %dma_start3A_131 = arith.constant 1040 : i32
    %dma_start3A_132 = arith.constant 0 : i32
    %dma_start3A_133 = tpu.memref_slice %arg6[%dma_start3A_131, %dma_start3A_132] : memref<1600x64xf32, #tpu.memory_space<vmem>> -> memref<80x64xf32, #tpu.memory_space<vmem>>
    %dma_start3A_134 = arith.constant 0 : i32
    %dma_start3A_135 = tpu.memref_slice %arg5[%dma_start3A_130, %dma_start3A_134] : memref<20x80xi32, #tpu.memory_space<vmem>> -> memref<1x80xi32, #tpu.memory_space<vmem>>
    %dma_start3A_136 = tpu.memref_squeeze %dma_start3A_135 : memref<1x80xi32, #tpu.memory_space<vmem>> -> memref<80xi32, #tpu.memory_space<vmem>>
    %dma_start3A_137 = arith.constant 0 : i32
    %dma_start3A_138 = arith.constant 0 : i32
    %dma_start3A_139 = tpu.memref_slice %arg3[%dma_start3A_137, %dma_start3A_138] : memref<100000x64xf32, #tpu.memory_space<hbm>> -> memref<100000x64xf32, #tpu.memory_space<hbm>>
    tpu.enqueue_indirect_dma source(%dma_start3A_139 : memref<100000x64xf32, #tpu.memory_space<hbm>>) target(%dma_start3A_133 : memref<80x64xf32, #tpu.memory_space<vmem>>) offsets(%dma_start3A_136 : memref<80xi32, #tpu.memory_space<vmem>>) semaphore(%arg8 : memref<!tpu.dma_semaphore, #tpu.memory_space<semaphore_mem>>)
    %dma_start3A_140 = arith.constant 14 : i32
    %dma_start3A_141 = arith.constant 1120 : i32
    %dma_start3A_142 = arith.constant 0 : i32
    %dma_start3A_143 = tpu.memref_slice %arg6[%dma_start3A_141, %dma_start3A_142] : memref<1600x64xf32, #tpu.memory_space<vmem>> -> memref<80x64xf32, #tpu.memory_space<vmem>>
    %dma_start3A_144 = arith.constant 0 : i32
    %dma_start3A_145 = tpu.memref_slice %arg5[%dma_start3A_140, %dma_start3A_144] : memref<20x80xi32, #tpu.memory_space<vmem>> -> memref<1x80xi32, #tpu.memory_space<vmem>>
    %dma_start3A_146 = tpu.memref_squeeze %dma_start3A_145 : memref<1x80xi32, #tpu.memory_space<vmem>> -> memref<80xi32, #tpu.memory_space<vmem>>
    %dma_start3A_147 = arith.constant 0 : i32
    %dma_start3A_148 = arith.constant 0 : i32
    %dma_start3A_149 = tpu.memref_slice %arg3[%dma_start3A_147, %dma_start3A_148] : memref<100000x64xf32, #tpu.memory_space<hbm>> -> memref<100000x64xf32, #tpu.memory_space<hbm>>
    tpu.enqueue_indirect_dma source(%dma_start3A_149 : memref<100000x64xf32, #tpu.memory_space<hbm>>) target(%dma_start3A_143 : memref<80x64xf32, #tpu.memory_space<vmem>>) offsets(%dma_start3A_146 : memref<80xi32, #tpu.memory_space<vmem>>) semaphore(%arg8 : memref<!tpu.dma_semaphore, #tpu.memory_space<semaphore_mem>>)
    %dma_start3A_150 = arith.constant 15 : i32
    %dma_start3A_151 = arith.constant 1200 : i32
    %dma_start3A_152 = arith.constant 0 : i32
    %dma_start3A_153 = tpu.memref_slice %arg6[%dma_start3A_151, %dma_start3A_152] : memref<1600x64xf32, #tpu.memory_space<vmem>> -> memref<80x64xf32, #tpu.memory_space<vmem>>
    %dma_start3A_154 = arith.constant 0 : i32
    %dma_start3A_155 = tpu.memref_slice %arg5[%dma_start3A_150, %dma_start3A_154] : memref<20x80xi32, #tpu.memory_space<vmem>> -> memref<1x80xi32, #tpu.memory_space<vmem>>
    %dma_start3A_156 = tpu.memref_squeeze %dma_start3A_155 : memref<1x80xi32, #tpu.memory_space<vmem>> -> memref<80xi32, #tpu.memory_space<vmem>>
    %dma_start3A_157 = arith.constant 0 : i32
    %dma_start3A_158 = arith.constant 0 : i32
    %dma_start3A_159 = tpu.memref_slice %arg3[%dma_start3A_157, %dma_start3A_158] : memref<100000x64xf32, #tpu.memory_space<hbm>> -> memref<100000x64xf32, #tpu.memory_space<hbm>>
    tpu.enqueue_indirect_dma source(%dma_start3A_159 : memref<100000x64xf32, #tpu.memory_space<hbm>>) target(%dma_start3A_153 : memref<80x64xf32, #tpu.memory_space<vmem>>) offsets(%dma_start3A_156 : memref<80xi32, #tpu.memory_space<vmem>>) semaphore(%arg8 : memref<!tpu.dma_semaphore, #tpu.memory_space<semaphore_mem>>)
    %dma_start3A_160 = arith.constant 16 : i32
    %dma_start3A_161 = arith.constant 1280 : i32
    %dma_start3A_162 = arith.constant 0 : i32
    %dma_start3A_163 = tpu.memref_slice %arg6[%dma_start3A_161, %dma_start3A_162] : memref<1600x64xf32, #tpu.memory_space<vmem>> -> memref<80x64xf32, #tpu.memory_space<vmem>>
    %dma_start3A_164 = arith.constant 0 : i32
    %dma_start3A_165 = tpu.memref_slice %arg5[%dma_start3A_160, %dma_start3A_164] : memref<20x80xi32, #tpu.memory_space<vmem>> -> memref<1x80xi32, #tpu.memory_space<vmem>>
    %dma_start3A_166 = tpu.memref_squeeze %dma_start3A_165 : memref<1x80xi32, #tpu.memory_space<vmem>> -> memref<80xi32, #tpu.memory_space<vmem>>
    %dma_start3A_167 = arith.constant 0 : i32
    %dma_start3A_168 = arith.constant 0 : i32
    %dma_start3A_169 = tpu.memref_slice %arg3[%dma_start3A_167, %dma_start3A_168] : memref<100000x64xf32, #tpu.memory_space<hbm>> -> memref<100000x64xf32, #tpu.memory_space<hbm>>
    tpu.enqueue_indirect_dma source(%dma_start3A_169 : memref<100000x64xf32, #tpu.memory_space<hbm>>) target(%dma_start3A_163 : memref<80x64xf32, #tpu.memory_space<vmem>>) offsets(%dma_start3A_166 : memref<80xi32, #tpu.memory_space<vmem>>) semaphore(%arg8 : memref<!tpu.dma_semaphore, #tpu.memory_space<semaphore_mem>>)
    %dma_start3A_170 = arith.constant 17 : i32
    %dma_start3A_171 = arith.constant 1360 : i32
    %dma_start3A_172 = arith.constant 0 : i32
    %dma_start3A_173 = tpu.memref_slice %arg6[%dma_start3A_171, %dma_start3A_172] : memref<1600x64xf32, #tpu.memory_space<vmem>> -> memref<80x64xf32, #tpu.memory_space<vmem>>
    %dma_start3A_174 = arith.constant 0 : i32
    %dma_start3A_175 = tpu.memref_slice %arg5[%dma_start3A_170, %dma_start3A_174] : memref<20x80xi32, #tpu.memory_space<vmem>> -> memref<1x80xi32, #tpu.memory_space<vmem>>
    %dma_start3A_176 = tpu.memref_squeeze %dma_start3A_175 : memref<1x80xi32, #tpu.memory_space<vmem>> -> memref<80xi32, #tpu.memory_space<vmem>>
    %dma_start3A_177 = arith.constant 0 : i32
    %dma_start3A_178 = arith.constant 0 : i32
    %dma_start3A_179 = tpu.memref_slice %arg3[%dma_start3A_177, %dma_start3A_178] : memref<100000x64xf32, #tpu.memory_space<hbm>> -> memref<100000x64xf32, #tpu.memory_space<hbm>>
    tpu.enqueue_indirect_dma source(%dma_start3A_179 : memref<100000x64xf32, #tpu.memory_space<hbm>>) target(%dma_start3A_173 : memref<80x64xf32, #tpu.memory_space<vmem>>) offsets(%dma_start3A_176 : memref<80xi32, #tpu.memory_space<vmem>>) semaphore(%arg8 : memref<!tpu.dma_semaphore, #tpu.memory_space<semaphore_mem>>)
    %dma_start3A_180 = arith.constant 18 : i32
    %dma_start3A_181 = arith.constant 1440 : i32
    %dma_start3A_182 = arith.constant 0 : i32
    %dma_start3A_183 = tpu.memref_slice %arg6[%dma_start3A_181, %dma_start3A_182] : memref<1600x64xf32, #tpu.memory_space<vmem>> -> memref<80x64xf32, #tpu.memory_space<vmem>>
    %dma_start3A_184 = arith.constant 0 : i32
    %dma_start3A_185 = tpu.memref_slice %arg5[%dma_start3A_180, %dma_start3A_184] : memref<20x80xi32, #tpu.memory_space<vmem>> -> memref<1x80xi32, #tpu.memory_space<vmem>>
    %dma_start3A_186 = tpu.memref_squeeze %dma_start3A_185 : memref<1x80xi32, #tpu.memory_space<vmem>> -> memref<80xi32, #tpu.memory_space<vmem>>
    %dma_start3A_187 = arith.constant 0 : i32
    %dma_start3A_188 = arith.constant 0 : i32
    %dma_start3A_189 = tpu.memref_slice %arg3[%dma_start3A_187, %dma_start3A_188] : memref<100000x64xf32, #tpu.memory_space<hbm>> -> memref<100000x64xf32, #tpu.memory_space<hbm>>
    tpu.enqueue_indirect_dma source(%dma_start3A_189 : memref<100000x64xf32, #tpu.memory_space<hbm>>) target(%dma_start3A_183 : memref<80x64xf32, #tpu.memory_space<vmem>>) offsets(%dma_start3A_186 : memref<80xi32, #tpu.memory_space<vmem>>) semaphore(%arg8 : memref<!tpu.dma_semaphore, #tpu.memory_space<semaphore_mem>>)
    %dma_start3A_190 = arith.constant 19 : i32
    %dma_start3A_191 = arith.constant 1520 : i32
    %dma_start3A_192 = arith.constant 0 : i32
    %dma_start3A_193 = tpu.memref_slice %arg6[%dma_start3A_191, %dma_start3A_192] : memref<1600x64xf32, #tpu.memory_space<vmem>> -> memref<80x64xf32, #tpu.memory_space<vmem>>
    %dma_start3A_194 = arith.constant 0 : i32
    %dma_start3A_195 = tpu.memref_slice %arg5[%dma_start3A_190, %dma_start3A_194] : memref<20x80xi32, #tpu.memory_space<vmem>> -> memref<1x80xi32, #tpu.memory_space<vmem>>
    %dma_start3A_196 = tpu.memref_squeeze %dma_start3A_195 : memref<1x80xi32, #tpu.memory_space<vmem>> -> memref<80xi32, #tpu.memory_space<vmem>>
    %dma_start3A_197 = arith.constant 0 : i32
    %dma_start3A_198 = arith.constant 0 : i32
    %dma_start3A_199 = tpu.memref_slice %arg3[%dma_start3A_197, %dma_start3A_198] : memref<100000x64xf32, #tpu.memory_space<hbm>> -> memref<100000x64xf32, #tpu.memory_space<hbm>>
    tpu.enqueue_indirect_dma source(%dma_start3A_199 : memref<100000x64xf32, #tpu.memory_space<hbm>>) target(%dma_start3A_193 : memref<80x64xf32, #tpu.memory_space<vmem>>) offsets(%dma_start3A_196 : memref<80xi32, #tpu.memory_space<vmem>>) semaphore(%arg8 : memref<!tpu.dma_semaphore, #tpu.memory_space<semaphore_mem>>)
    %dma_wait3A = arith.constant 0 : i32
    %dma_wait3A_200 = arith.constant 0 : i32
    %dma_wait3A_201 = arith.constant 0 : i32
    %dma_wait3A_202 = tpu.memref_slice %arg6[%dma_wait3A_200, %dma_wait3A_201] : memref<1600x64xf32, #tpu.memory_space<vmem>> -> memref<80x64xf32, #tpu.memory_space<vmem>>
    %dma_wait3A_203 = arith.constant 0 : i32
    %dma_wait3A_204 = tpu.memref_slice %arg5[%dma_wait3A, %dma_wait3A_203] : memref<20x80xi32, #tpu.memory_space<vmem>> -> memref<1x80xi32, #tpu.memory_space<vmem>>
    %dma_wait3A_205 = tpu.memref_squeeze %dma_wait3A_204 : memref<1x80xi32, #tpu.memory_space<vmem>> -> memref<80xi32, #tpu.memory_space<vmem>>
    %dma_wait3A_206 = arith.constant 0 : i32
    %dma_wait3A_207 = arith.constant 0 : i32
    %dma_wait3A_208 = tpu.memref_slice %arg3[%dma_wait3A_206, %dma_wait3A_207] : memref<100000x64xf32, #tpu.memory_space<hbm>> -> memref<100000x64xf32, #tpu.memory_space<hbm>>
    tpu.wait_indirect_dma semaphore(%arg8 : memref<!tpu.dma_semaphore, #tpu.memory_space<semaphore_mem>>) src(%dma_wait3A_208 : memref<100000x64xf32, #tpu.memory_space<hbm>>) dst(%dma_wait3A_202 : memref<80x64xf32, #tpu.memory_space<vmem>>)
    %dma_wait3A_209 = arith.constant 1 : i32
    %dma_wait3A_210 = arith.constant 80 : i32
    %dma_wait3A_211 = arith.constant 0 : i32
    %dma_wait3A_212 = tpu.memref_slice %arg6[%dma_wait3A_210, %dma_wait3A_211] : memref<1600x64xf32, #tpu.memory_space<vmem>> -> memref<80x64xf32, #tpu.memory_space<vmem>>
    %dma_wait3A_213 = arith.constant 0 : i32
    %dma_wait3A_214 = tpu.memref_slice %arg5[%dma_wait3A_209, %dma_wait3A_213] : memref<20x80xi32, #tpu.memory_space<vmem>> -> memref<1x80xi32, #tpu.memory_space<vmem>>
    %dma_wait3A_215 = tpu.memref_squeeze %dma_wait3A_214 : memref<1x80xi32, #tpu.memory_space<vmem>> -> memref<80xi32, #tpu.memory_space<vmem>>
    %dma_wait3A_216 = arith.constant 0 : i32
    %dma_wait3A_217 = arith.constant 0 : i32
    %dma_wait3A_218 = tpu.memref_slice %arg3[%dma_wait3A_216, %dma_wait3A_217] : memref<100000x64xf32, #tpu.memory_space<hbm>> -> memref<100000x64xf32, #tpu.memory_space<hbm>>
    tpu.wait_indirect_dma semaphore(%arg8 : memref<!tpu.dma_semaphore, #tpu.memory_space<semaphore_mem>>) src(%dma_wait3A_218 : memref<100000x64xf32, #tpu.memory_space<hbm>>) dst(%dma_wait3A_212 : memref<80x64xf32, #tpu.memory_space<vmem>>)
    %dma_wait3A_219 = arith.constant 2 : i32
    %dma_wait3A_220 = arith.constant 160 : i32
    %dma_wait3A_221 = arith.constant 0 : i32
    %dma_wait3A_222 = tpu.memref_slice %arg6[%dma_wait3A_220, %dma_wait3A_221] : memref<1600x64xf32, #tpu.memory_space<vmem>> -> memref<80x64xf32, #tpu.memory_space<vmem>>
    %dma_wait3A_223 = arith.constant 0 : i32
    %dma_wait3A_224 = tpu.memref_slice %arg5[%dma_wait3A_219, %dma_wait3A_223] : memref<20x80xi32, #tpu.memory_space<vmem>> -> memref<1x80xi32, #tpu.memory_space<vmem>>
    %dma_wait3A_225 = tpu.memref_squeeze %dma_wait3A_224 : memref<1x80xi32, #tpu.memory_space<vmem>> -> memref<80xi32, #tpu.memory_space<vmem>>
    %dma_wait3A_226 = arith.constant 0 : i32
    %dma_wait3A_227 = arith.constant 0 : i32
    %dma_wait3A_228 = tpu.memref_slice %arg3[%dma_wait3A_226, %dma_wait3A_227] : memref<100000x64xf32, #tpu.memory_space<hbm>> -> memref<100000x64xf32, #tpu.memory_space<hbm>>
    tpu.wait_indirect_dma semaphore(%arg8 : memref<!tpu.dma_semaphore, #tpu.memory_space<semaphore_mem>>) src(%dma_wait3A_228 : memref<100000x64xf32, #tpu.memory_space<hbm>>) dst(%dma_wait3A_222 : memref<80x64xf32, #tpu.memory_space<vmem>>)
    %dma_wait3A_229 = arith.constant 3 : i32
    %dma_wait3A_230 = arith.constant 240 : i32
    %dma_wait3A_231 = arith.constant 0 : i32
    %dma_wait3A_232 = tpu.memref_slice %arg6[%dma_wait3A_230, %dma_wait3A_231] : memref<1600x64xf32, #tpu.memory_space<vmem>> -> memref<80x64xf32, #tpu.memory_space<vmem>>
    %dma_wait3A_233 = arith.constant 0 : i32
    %dma_wait3A_234 = tpu.memref_slice %arg5[%dma_wait3A_229, %dma_wait3A_233] : memref<20x80xi32, #tpu.memory_space<vmem>> -> memref<1x80xi32, #tpu.memory_space<vmem>>
    %dma_wait3A_235 = tpu.memref_squeeze %dma_wait3A_234 : memref<1x80xi32, #tpu.memory_space<vmem>> -> memref<80xi32, #tpu.memory_space<vmem>>
    %dma_wait3A_236 = arith.constant 0 : i32
    %dma_wait3A_237 = arith.constant 0 : i32
    %dma_wait3A_238 = tpu.memref_slice %arg3[%dma_wait3A_236, %dma_wait3A_237] : memref<100000x64xf32, #tpu.memory_space<hbm>> -> memref<100000x64xf32, #tpu.memory_space<hbm>>
    tpu.wait_indirect_dma semaphore(%arg8 : memref<!tpu.dma_semaphore, #tpu.memory_space<semaphore_mem>>) src(%dma_wait3A_238 : memref<100000x64xf32, #tpu.memory_space<hbm>>) dst(%dma_wait3A_232 : memref<80x64xf32, #tpu.memory_space<vmem>>)
    %dma_wait3A_239 = arith.constant 4 : i32
    %dma_wait3A_240 = arith.constant 320 : i32
    %dma_wait3A_241 = arith.constant 0 : i32
    %dma_wait3A_242 = tpu.memref_slice %arg6[%dma_wait3A_240, %dma_wait3A_241] : memref<1600x64xf32, #tpu.memory_space<vmem>> -> memref<80x64xf32, #tpu.memory_space<vmem>>
    %dma_wait3A_243 = arith.constant 0 : i32
    %dma_wait3A_244 = tpu.memref_slice %arg5[%dma_wait3A_239, %dma_wait3A_243] : memref<20x80xi32, #tpu.memory_space<vmem>> -> memref<1x80xi32, #tpu.memory_space<vmem>>
    %dma_wait3A_245 = tpu.memref_squeeze %dma_wait3A_244 : memref<1x80xi32, #tpu.memory_space<vmem>> -> memref<80xi32, #tpu.memory_space<vmem>>
    %dma_wait3A_246 = arith.constant 0 : i32
    %dma_wait3A_247 = arith.constant 0 : i32
    %dma_wait3A_248 = tpu.memref_slice %arg3[%dma_wait3A_246, %dma_wait3A_247] : memref<100000x64xf32, #tpu.memory_space<hbm>> -> memref<100000x64xf32, #tpu.memory_space<hbm>>
    tpu.wait_indirect_dma semaphore(%arg8 : memref<!tpu.dma_semaphore, #tpu.memory_space<semaphore_mem>>) src(%dma_wait3A_248 : memref<100000x64xf32, #tpu.memory_space<hbm>>) dst(%dma_wait3A_242 : memref<80x64xf32, #tpu.memory_space<vmem>>)
    %dma_wait3A_249 = arith.constant 5 : i32
    %dma_wait3A_250 = arith.constant 400 : i32
    %dma_wait3A_251 = arith.constant 0 : i32
    %dma_wait3A_252 = tpu.memref_slice %arg6[%dma_wait3A_250, %dma_wait3A_251] : memref<1600x64xf32, #tpu.memory_space<vmem>> -> memref<80x64xf32, #tpu.memory_space<vmem>>
    %dma_wait3A_253 = arith.constant 0 : i32
    %dma_wait3A_254 = tpu.memref_slice %arg5[%dma_wait3A_249, %dma_wait3A_253] : memref<20x80xi32, #tpu.memory_space<vmem>> -> memref<1x80xi32, #tpu.memory_space<vmem>>
    %dma_wait3A_255 = tpu.memref_squeeze %dma_wait3A_254 : memref<1x80xi32, #tpu.memory_space<vmem>> -> memref<80xi32, #tpu.memory_space<vmem>>
    %dma_wait3A_256 = arith.constant 0 : i32
    %dma_wait3A_257 = arith.constant 0 : i32
    %dma_wait3A_258 = tpu.memref_slice %arg3[%dma_wait3A_256, %dma_wait3A_257] : memref<100000x64xf32, #tpu.memory_space<hbm>> -> memref<100000x64xf32, #tpu.memory_space<hbm>>
    tpu.wait_indirect_dma semaphore(%arg8 : memref<!tpu.dma_semaphore, #tpu.memory_space<semaphore_mem>>) src(%dma_wait3A_258 : memref<100000x64xf32, #tpu.memory_space<hbm>>) dst(%dma_wait3A_252 : memref<80x64xf32, #tpu.memory_space<vmem>>)
    %dma_wait3A_259 = arith.constant 6 : i32
    %dma_wait3A_260 = arith.constant 480 : i32
    %dma_wait3A_261 = arith.constant 0 : i32
    %dma_wait3A_262 = tpu.memref_slice %arg6[%dma_wait3A_260, %dma_wait3A_261] : memref<1600x64xf32, #tpu.memory_space<vmem>> -> memref<80x64xf32, #tpu.memory_space<vmem>>
    %dma_wait3A_263 = arith.constant 0 : i32
    %dma_wait3A_264 = tpu.memref_slice %arg5[%dma_wait3A_259, %dma_wait3A_263] : memref<20x80xi32, #tpu.memory_space<vmem>> -> memref<1x80xi32, #tpu.memory_space<vmem>>
    %dma_wait3A_265 = tpu.memref_squeeze %dma_wait3A_264 : memref<1x80xi32, #tpu.memory_space<vmem>> -> memref<80xi32, #tpu.memory_space<vmem>>
    %dma_wait3A_266 = arith.constant 0 : i32
    %dma_wait3A_267 = arith.constant 0 : i32
    %dma_wait3A_268 = tpu.memref_slice %arg3[%dma_wait3A_266, %dma_wait3A_267] : memref<100000x64xf32, #tpu.memory_space<hbm>> -> memref<100000x64xf32, #tpu.memory_space<hbm>>
    tpu.wait_indirect_dma semaphore(%arg8 : memref<!tpu.dma_semaphore, #tpu.memory_space<semaphore_mem>>) src(%dma_wait3A_268 : memref<100000x64xf32, #tpu.memory_space<hbm>>) dst(%dma_wait3A_262 : memref<80x64xf32, #tpu.memory_space<vmem>>)
    %dma_wait3A_269 = arith.constant 7 : i32
    %dma_wait3A_270 = arith.constant 560 : i32
    %dma_wait3A_271 = arith.constant 0 : i32
    %dma_wait3A_272 = tpu.memref_slice %arg6[%dma_wait3A_270, %dma_wait3A_271] : memref<1600x64xf32, #tpu.memory_space<vmem>> -> memref<80x64xf32, #tpu.memory_space<vmem>>
    %dma_wait3A_273 = arith.constant 0 : i32
    %dma_wait3A_274 = tpu.memref_slice %arg5[%dma_wait3A_269, %dma_wait3A_273] : memref<20x80xi32, #tpu.memory_space<vmem>> -> memref<1x80xi32, #tpu.memory_space<vmem>>
    %dma_wait3A_275 = tpu.memref_squeeze %dma_wait3A_274 : memref<1x80xi32, #tpu.memory_space<vmem>> -> memref<80xi32, #tpu.memory_space<vmem>>
    %dma_wait3A_276 = arith.constant 0 : i32
    %dma_wait3A_277 = arith.constant 0 : i32
    %dma_wait3A_278 = tpu.memref_slice %arg3[%dma_wait3A_276, %dma_wait3A_277] : memref<100000x64xf32, #tpu.memory_space<hbm>> -> memref<100000x64xf32, #tpu.memory_space<hbm>>
    tpu.wait_indirect_dma semaphore(%arg8 : memref<!tpu.dma_semaphore, #tpu.memory_space<semaphore_mem>>) src(%dma_wait3A_278 : memref<100000x64xf32, #tpu.memory_space<hbm>>) dst(%dma_wait3A_272 : memref<80x64xf32, #tpu.memory_space<vmem>>)
    %dma_wait3A_279 = arith.constant 8 : i32
    %dma_wait3A_280 = arith.constant 640 : i32
    %dma_wait3A_281 = arith.constant 0 : i32
    %dma_wait3A_282 = tpu.memref_slice %arg6[%dma_wait3A_280, %dma_wait3A_281] : memref<1600x64xf32, #tpu.memory_space<vmem>> -> memref<80x64xf32, #tpu.memory_space<vmem>>
    %dma_wait3A_283 = arith.constant 0 : i32
    %dma_wait3A_284 = tpu.memref_slice %arg5[%dma_wait3A_279, %dma_wait3A_283] : memref<20x80xi32, #tpu.memory_space<vmem>> -> memref<1x80xi32, #tpu.memory_space<vmem>>
    %dma_wait3A_285 = tpu.memref_squeeze %dma_wait3A_284 : memref<1x80xi32, #tpu.memory_space<vmem>> -> memref<80xi32, #tpu.memory_space<vmem>>
    %dma_wait3A_286 = arith.constant 0 : i32
    %dma_wait3A_287 = arith.constant 0 : i32
    %dma_wait3A_288 = tpu.memref_slice %arg3[%dma_wait3A_286, %dma_wait3A_287] : memref<100000x64xf32, #tpu.memory_space<hbm>> -> memref<100000x64xf32, #tpu.memory_space<hbm>>
    tpu.wait_indirect_dma semaphore(%arg8 : memref<!tpu.dma_semaphore, #tpu.memory_space<semaphore_mem>>) src(%dma_wait3A_288 : memref<100000x64xf32, #tpu.memory_space<hbm>>) dst(%dma_wait3A_282 : memref<80x64xf32, #tpu.memory_space<vmem>>)
    %dma_wait3A_289 = arith.constant 9 : i32
    %dma_wait3A_290 = arith.constant 720 : i32
    %dma_wait3A_291 = arith.constant 0 : i32
    %dma_wait3A_292 = tpu.memref_slice %arg6[%dma_wait3A_290, %dma_wait3A_291] : memref<1600x64xf32, #tpu.memory_space<vmem>> -> memref<80x64xf32, #tpu.memory_space<vmem>>
    %dma_wait3A_293 = arith.constant 0 : i32
    %dma_wait3A_294 = tpu.memref_slice %arg5[%dma_wait3A_289, %dma_wait3A_293] : memref<20x80xi32, #tpu.memory_space<vmem>> -> memref<1x80xi32, #tpu.memory_space<vmem>>
    %dma_wait3A_295 = tpu.memref_squeeze %dma_wait3A_294 : memref<1x80xi32, #tpu.memory_space<vmem>> -> memref<80xi32, #tpu.memory_space<vmem>>
    %dma_wait3A_296 = arith.constant 0 : i32
    %dma_wait3A_297 = arith.constant 0 : i32
    %dma_wait3A_298 = tpu.memref_slice %arg3[%dma_wait3A_296, %dma_wait3A_297] : memref<100000x64xf32, #tpu.memory_space<hbm>> -> memref<100000x64xf32, #tpu.memory_space<hbm>>
    tpu.wait_indirect_dma semaphore(%arg8 : memref<!tpu.dma_semaphore, #tpu.memory_space<semaphore_mem>>) src(%dma_wait3A_298 : memref<100000x64xf32, #tpu.memory_space<hbm>>) dst(%dma_wait3A_292 : memref<80x64xf32, #tpu.memory_space<vmem>>)
    %dma_wait3A_299 = arith.constant 10 : i32
    %dma_wait3A_300 = arith.constant 800 : i32
    %dma_wait3A_301 = arith.constant 0 : i32
    %dma_wait3A_302 = tpu.memref_slice %arg6[%dma_wait3A_300, %dma_wait3A_301] : memref<1600x64xf32, #tpu.memory_space<vmem>> -> memref<80x64xf32, #tpu.memory_space<vmem>>
    %dma_wait3A_303 = arith.constant 0 : i32
    %dma_wait3A_304 = tpu.memref_slice %arg5[%dma_wait3A_299, %dma_wait3A_303] : memref<20x80xi32, #tpu.memory_space<vmem>> -> memref<1x80xi32, #tpu.memory_space<vmem>>
    %dma_wait3A_305 = tpu.memref_squeeze %dma_wait3A_304 : memref<1x80xi32, #tpu.memory_space<vmem>> -> memref<80xi32, #tpu.memory_space<vmem>>
    %dma_wait3A_306 = arith.constant 0 : i32
    %dma_wait3A_307 = arith.constant 0 : i32
    %dma_wait3A_308 = tpu.memref_slice %arg3[%dma_wait3A_306, %dma_wait3A_307] : memref<100000x64xf32, #tpu.memory_space<hbm>> -> memref<100000x64xf32, #tpu.memory_space<hbm>>
    tpu.wait_indirect_dma semaphore(%arg8 : memref<!tpu.dma_semaphore, #tpu.memory_space<semaphore_mem>>) src(%dma_wait3A_308 : memref<100000x64xf32, #tpu.memory_space<hbm>>) dst(%dma_wait3A_302 : memref<80x64xf32, #tpu.memory_space<vmem>>)
    %dma_wait3A_309 = arith.constant 11 : i32
    %dma_wait3A_310 = arith.constant 880 : i32
    %dma_wait3A_311 = arith.constant 0 : i32
    %dma_wait3A_312 = tpu.memref_slice %arg6[%dma_wait3A_310, %dma_wait3A_311] : memref<1600x64xf32, #tpu.memory_space<vmem>> -> memref<80x64xf32, #tpu.memory_space<vmem>>
    %dma_wait3A_313 = arith.constant 0 : i32
    %dma_wait3A_314 = tpu.memref_slice %arg5[%dma_wait3A_309, %dma_wait3A_313] : memref<20x80xi32, #tpu.memory_space<vmem>> -> memref<1x80xi32, #tpu.memory_space<vmem>>
    %dma_wait3A_315 = tpu.memref_squeeze %dma_wait3A_314 : memref<1x80xi32, #tpu.memory_space<vmem>> -> memref<80xi32, #tpu.memory_space<vmem>>
    %dma_wait3A_316 = arith.constant 0 : i32
    %dma_wait3A_317 = arith.constant 0 : i32
    %dma_wait3A_318 = tpu.memref_slice %arg3[%dma_wait3A_316, %dma_wait3A_317] : memref<100000x64xf32, #tpu.memory_space<hbm>> -> memref<100000x64xf32, #tpu.memory_space<hbm>>
    tpu.wait_indirect_dma semaphore(%arg8 : memref<!tpu.dma_semaphore, #tpu.memory_space<semaphore_mem>>) src(%dma_wait3A_318 : memref<100000x64xf32, #tpu.memory_space<hbm>>) dst(%dma_wait3A_312 : memref<80x64xf32, #tpu.memory_space<vmem>>)
    %dma_wait3A_319 = arith.constant 12 : i32
    %dma_wait3A_320 = arith.constant 960 : i32
    %dma_wait3A_321 = arith.constant 0 : i32
    %dma_wait3A_322 = tpu.memref_slice %arg6[%dma_wait3A_320, %dma_wait3A_321] : memref<1600x64xf32, #tpu.memory_space<vmem>> -> memref<80x64xf32, #tpu.memory_space<vmem>>
    %dma_wait3A_323 = arith.constant 0 : i32
    %dma_wait3A_324 = tpu.memref_slice %arg5[%dma_wait3A_319, %dma_wait3A_323] : memref<20x80xi32, #tpu.memory_space<vmem>> -> memref<1x80xi32, #tpu.memory_space<vmem>>
    %dma_wait3A_325 = tpu.memref_squeeze %dma_wait3A_324 : memref<1x80xi32, #tpu.memory_space<vmem>> -> memref<80xi32, #tpu.memory_space<vmem>>
    %dma_wait3A_326 = arith.constant 0 : i32
    %dma_wait3A_327 = arith.constant 0 : i32
    %dma_wait3A_328 = tpu.memref_slice %arg3[%dma_wait3A_326, %dma_wait3A_327] : memref<100000x64xf32, #tpu.memory_space<hbm>> -> memref<100000x64xf32, #tpu.memory_space<hbm>>
    tpu.wait_indirect_dma semaphore(%arg8 : memref<!tpu.dma_semaphore, #tpu.memory_space<semaphore_mem>>) src(%dma_wait3A_328 : memref<100000x64xf32, #tpu.memory_space<hbm>>) dst(%dma_wait3A_322 : memref<80x64xf32, #tpu.memory_space<vmem>>)
    %dma_wait3A_329 = arith.constant 13 : i32
    %dma_wait3A_330 = arith.constant 1040 : i32
    %dma_wait3A_331 = arith.constant 0 : i32
    %dma_wait3A_332 = tpu.memref_slice %arg6[%dma_wait3A_330, %dma_wait3A_331] : memref<1600x64xf32, #tpu.memory_space<vmem>> -> memref<80x64xf32, #tpu.memory_space<vmem>>
    %dma_wait3A_333 = arith.constant 0 : i32
    %dma_wait3A_334 = tpu.memref_slice %arg5[%dma_wait3A_329, %dma_wait3A_333] : memref<20x80xi32, #tpu.memory_space<vmem>> -> memref<1x80xi32, #tpu.memory_space<vmem>>
    %dma_wait3A_335 = tpu.memref_squeeze %dma_wait3A_334 : memref<1x80xi32, #tpu.memory_space<vmem>> -> memref<80xi32, #tpu.memory_space<vmem>>
    %dma_wait3A_336 = arith.constant 0 : i32
    %dma_wait3A_337 = arith.constant 0 : i32
    %dma_wait3A_338 = tpu.memref_slice %arg3[%dma_wait3A_336, %dma_wait3A_337] : memref<100000x64xf32, #tpu.memory_space<hbm>> -> memref<100000x64xf32, #tpu.memory_space<hbm>>
    tpu.wait_indirect_dma semaphore(%arg8 : memref<!tpu.dma_semaphore, #tpu.memory_space<semaphore_mem>>) src(%dma_wait3A_338 : memref<100000x64xf32, #tpu.memory_space<hbm>>) dst(%dma_wait3A_332 : memref<80x64xf32, #tpu.memory_space<vmem>>)
    %dma_wait3A_339 = arith.constant 14 : i32
    %dma_wait3A_340 = arith.constant 1120 : i32
    %dma_wait3A_341 = arith.constant 0 : i32
    %dma_wait3A_342 = tpu.memref_slice %arg6[%dma_wait3A_340, %dma_wait3A_341] : memref<1600x64xf32, #tpu.memory_space<vmem>> -> memref<80x64xf32, #tpu.memory_space<vmem>>
    %dma_wait3A_343 = arith.constant 0 : i32
    %dma_wait3A_344 = tpu.memref_slice %arg5[%dma_wait3A_339, %dma_wait3A_343] : memref<20x80xi32, #tpu.memory_space<vmem>> -> memref<1x80xi32, #tpu.memory_space<vmem>>
    %dma_wait3A_345 = tpu.memref_squeeze %dma_wait3A_344 : memref<1x80xi32, #tpu.memory_space<vmem>> -> memref<80xi32, #tpu.memory_space<vmem>>
    %dma_wait3A_346 = arith.constant 0 : i32
    %dma_wait3A_347 = arith.constant 0 : i32
    %dma_wait3A_348 = tpu.memref_slice %arg3[%dma_wait3A_346, %dma_wait3A_347] : memref<100000x64xf32, #tpu.memory_space<hbm>> -> memref<100000x64xf32, #tpu.memory_space<hbm>>
    tpu.wait_indirect_dma semaphore(%arg8 : memref<!tpu.dma_semaphore, #tpu.memory_space<semaphore_mem>>) src(%dma_wait3A_348 : memref<100000x64xf32, #tpu.memory_space<hbm>>) dst(%dma_wait3A_342 : memref<80x64xf32, #tpu.memory_space<vmem>>)
    %dma_wait3A_349 = arith.constant 15 : i32
    %dma_wait3A_350 = arith.constant 1200 : i32
    %dma_wait3A_351 = arith.constant 0 : i32
    %dma_wait3A_352 = tpu.memref_slice %arg6[%dma_wait3A_350, %dma_wait3A_351] : memref<1600x64xf32, #tpu.memory_space<vmem>> -> memref<80x64xf32, #tpu.memory_space<vmem>>
    %dma_wait3A_353 = arith.constant 0 : i32
    %dma_wait3A_354 = tpu.memref_slice %arg5[%dma_wait3A_349, %dma_wait3A_353] : memref<20x80xi32, #tpu.memory_space<vmem>> -> memref<1x80xi32, #tpu.memory_space<vmem>>
    %dma_wait3A_355 = tpu.memref_squeeze %dma_wait3A_354 : memref<1x80xi32, #tpu.memory_space<vmem>> -> memref<80xi32, #tpu.memory_space<vmem>>
    %dma_wait3A_356 = arith.constant 0 : i32
    %dma_wait3A_357 = arith.constant 0 : i32
    %dma_wait3A_358 = tpu.memref_slice %arg3[%dma_wait3A_356, %dma_wait3A_357] : memref<100000x64xf32, #tpu.memory_space<hbm>> -> memref<100000x64xf32, #tpu.memory_space<hbm>>
    tpu.wait_indirect_dma semaphore(%arg8 : memref<!tpu.dma_semaphore, #tpu.memory_space<semaphore_mem>>) src(%dma_wait3A_358 : memref<100000x64xf32, #tpu.memory_space<hbm>>) dst(%dma_wait3A_352 : memref<80x64xf32, #tpu.memory_space<vmem>>)
    %dma_wait3A_359 = arith.constant 16 : i32
    %dma_wait3A_360 = arith.constant 1280 : i32
    %dma_wait3A_361 = arith.constant 0 : i32
    %dma_wait3A_362 = tpu.memref_slice %arg6[%dma_wait3A_360, %dma_wait3A_361] : memref<1600x64xf32, #tpu.memory_space<vmem>> -> memref<80x64xf32, #tpu.memory_space<vmem>>
    %dma_wait3A_363 = arith.constant 0 : i32
    %dma_wait3A_364 = tpu.memref_slice %arg5[%dma_wait3A_359, %dma_wait3A_363] : memref<20x80xi32, #tpu.memory_space<vmem>> -> memref<1x80xi32, #tpu.memory_space<vmem>>
    %dma_wait3A_365 = tpu.memref_squeeze %dma_wait3A_364 : memref<1x80xi32, #tpu.memory_space<vmem>> -> memref<80xi32, #tpu.memory_space<vmem>>
    %dma_wait3A_366 = arith.constant 0 : i32
    %dma_wait3A_367 = arith.constant 0 : i32
    %dma_wait3A_368 = tpu.memref_slice %arg3[%dma_wait3A_366, %dma_wait3A_367] : memref<100000x64xf32, #tpu.memory_space<hbm>> -> memref<100000x64xf32, #tpu.memory_space<hbm>>
    tpu.wait_indirect_dma semaphore(%arg8 : memref<!tpu.dma_semaphore, #tpu.memory_space<semaphore_mem>>) src(%dma_wait3A_368 : memref<100000x64xf32, #tpu.memory_space<hbm>>) dst(%dma_wait3A_362 : memref<80x64xf32, #tpu.memory_space<vmem>>)
    %dma_wait3A_369 = arith.constant 17 : i32
    %dma_wait3A_370 = arith.constant 1360 : i32
    %dma_wait3A_371 = arith.constant 0 : i32
    %dma_wait3A_372 = tpu.memref_slice %arg6[%dma_wait3A_370, %dma_wait3A_371] : memref<1600x64xf32, #tpu.memory_space<vmem>> -> memref<80x64xf32, #tpu.memory_space<vmem>>
    %dma_wait3A_373 = arith.constant 0 : i32
    %dma_wait3A_374 = tpu.memref_slice %arg5[%dma_wait3A_369, %dma_wait3A_373] : memref<20x80xi32, #tpu.memory_space<vmem>> -> memref<1x80xi32, #tpu.memory_space<vmem>>
    %dma_wait3A_375 = tpu.memref_squeeze %dma_wait3A_374 : memref<1x80xi32, #tpu.memory_space<vmem>> -> memref<80xi32, #tpu.memory_space<vmem>>
    %dma_wait3A_376 = arith.constant 0 : i32
    %dma_wait3A_377 = arith.constant 0 : i32
    %dma_wait3A_378 = tpu.memref_slice %arg3[%dma_wait3A_376, %dma_wait3A_377] : memref<100000x64xf32, #tpu.memory_space<hbm>> -> memref<100000x64xf32, #tpu.memory_space<hbm>>
    tpu.wait_indirect_dma semaphore(%arg8 : memref<!tpu.dma_semaphore, #tpu.memory_space<semaphore_mem>>) src(%dma_wait3A_378 : memref<100000x64xf32, #tpu.memory_space<hbm>>) dst(%dma_wait3A_372 : memref<80x64xf32, #tpu.memory_space<vmem>>)
    %dma_wait3A_379 = arith.constant 18 : i32
    %dma_wait3A_380 = arith.constant 1440 : i32
    %dma_wait3A_381 = arith.constant 0 : i32
    %dma_wait3A_382 = tpu.memref_slice %arg6[%dma_wait3A_380, %dma_wait3A_381] : memref<1600x64xf32, #tpu.memory_space<vmem>> -> memref<80x64xf32, #tpu.memory_space<vmem>>
    %dma_wait3A_383 = arith.constant 0 : i32
    %dma_wait3A_384 = tpu.memref_slice %arg5[%dma_wait3A_379, %dma_wait3A_383] : memref<20x80xi32, #tpu.memory_space<vmem>> -> memref<1x80xi32, #tpu.memory_space<vmem>>
    %dma_wait3A_385 = tpu.memref_squeeze %dma_wait3A_384 : memref<1x80xi32, #tpu.memory_space<vmem>> -> memref<80xi32, #tpu.memory_space<vmem>>
    %dma_wait3A_386 = arith.constant 0 : i32
    %dma_wait3A_387 = arith.constant 0 : i32
    %dma_wait3A_388 = tpu.memref_slice %arg3[%dma_wait3A_386, %dma_wait3A_387] : memref<100000x64xf32, #tpu.memory_space<hbm>> -> memref<100000x64xf32, #tpu.memory_space<hbm>>
    tpu.wait_indirect_dma semaphore(%arg8 : memref<!tpu.dma_semaphore, #tpu.memory_space<semaphore_mem>>) src(%dma_wait3A_388 : memref<100000x64xf32, #tpu.memory_space<hbm>>) dst(%dma_wait3A_382 : memref<80x64xf32, #tpu.memory_space<vmem>>)
    %dma_wait3A_389 = arith.constant 19 : i32
    %dma_wait3A_390 = arith.constant 1520 : i32
    %dma_wait3A_391 = arith.constant 0 : i32
    %dma_wait3A_392 = tpu.memref_slice %arg6[%dma_wait3A_390, %dma_wait3A_391] : memref<1600x64xf32, #tpu.memory_space<vmem>> -> memref<80x64xf32, #tpu.memory_space<vmem>>
    %dma_wait3A_393 = arith.constant 0 : i32
    %dma_wait3A_394 = tpu.memref_slice %arg5[%dma_wait3A_389, %dma_wait3A_393] : memref<20x80xi32, #tpu.memory_space<vmem>> -> memref<1x80xi32, #tpu.memory_space<vmem>>
    %dma_wait3A_395 = tpu.memref_squeeze %dma_wait3A_394 : memref<1x80xi32, #tpu.memory_space<vmem>> -> memref<80xi32, #tpu.memory_space<vmem>>
    %dma_wait3A_396 = arith.constant 0 : i32
    %dma_wait3A_397 = arith.constant 0 : i32
    %dma_wait3A_398 = tpu.memref_slice %arg3[%dma_wait3A_396, %dma_wait3A_397] : memref<100000x64xf32, #tpu.memory_space<hbm>> -> memref<100000x64xf32, #tpu.memory_space<hbm>>
    tpu.wait_indirect_dma semaphore(%arg8 : memref<!tpu.dma_semaphore, #tpu.memory_space<semaphore_mem>>) src(%dma_wait3A_398 : memref<100000x64xf32, #tpu.memory_space<hbm>>) dst(%dma_wait3A_392 : memref<80x64xf32, #tpu.memory_space<vmem>>)
    %scan3A = arith.constant 0 : i32
    %scan3A_399 = arith.constant 0 : i32
    %scan3A_400 = arith.constant 32 : i32
    %scan3A_401 = arith.addi %scan3A_399, %scan3A_400 : i32
    %scan3A_402 = arith.constant 1 : i32
    scf.for %scan3A_406 = %scan3A_399 to %scan3A_401 step %scan3A_402  : i32 {
      %mul3A_407 = arith.constant 50 : i32
      %mul3A_408 = arith.muli %scan3A_406, %mul3A_407 : i32
      %broadcast_in_dim3A = arith.constant 0.000000e+00 : f32
      %broadcast_in_dim3A_409 = vector.broadcast %broadcast_in_dim3A : f32 to vector<16xf32>
      %broadcast_in_dim3A_410 = arith.constant 0.000000e+00 : f32
      %broadcast_in_dim3A_411 = vector.broadcast %broadcast_in_dim3A_410 : f32 to vector<16xf32>
      %broadcast_in_dim3A_412 = arith.constant 0.000000e+00 : f32
      %broadcast_in_dim3A_413 = vector.broadcast %broadcast_in_dim3A_412 : f32 to vector<16xf32>
      %broadcast_in_dim3A_414 = arith.constant 0.000000e+00 : f32
      %broadcast_in_dim3A_415 = vector.broadcast %broadcast_in_dim3A_414 : f32 to vector<16xf32>
      %scan3A_416 = arith.constant 0 : i32
      %scan3A_417 = arith.constant 50 : i32
      %scan3A_418 = arith.addi %scan3A_416, %scan3A_417 : i32
      %scan3A_419 = arith.constant 1 : i32
      %scan3A_420:4 = scf.for %scan3A_453 = %scan3A_416 to %scan3A_418 step %scan3A_419 iter_args(%scan3A_454 = %broadcast_in_dim3A_409, %scan3A_455 = %broadcast_in_dim3A_411, %scan3A_456 = %broadcast_in_dim3A_413, %scan3A_457 = %broadcast_in_dim3A_415) -> (vector<16xf32>, vector<16xf32>, vector<16xf32>, vector<16xf32>)  : i32 {
        %add3A_458 = arith.addi %mul3A_408, %scan3A_453 : i32
        %get3A = arith.index_cast %add3A_458 : i32 to index
        %get3A_459 = arith.constant 0 : index
        %get3A_460 = tpu.vector_load %arg6[%get3A, %get3A_459] {strides = array<i32>} : memref<1600x64xf32, #tpu.memory_space<vmem>>, vector<1x16xf32>,
        %get3A_461 = vector.shape_cast %get3A_460 : vector<1x16xf32> to vector<16xf32>
        %add3A_462 = arith.addf %scan3A_454, %get3A_461 : vector<16xf32>
        %get3A_463 = arith.index_cast %add3A_458 : i32 to index
        %get3A_464 = arith.constant 16 : index
        %get3A_465 = tpu.vector_load %arg6[%get3A_463, %get3A_464] {strides = array<i32>} : memref<1600x64xf32, #tpu.memory_space<vmem>>, vector<1x16xf32>,
        %get3A_466 = vector.shape_cast %get3A_465 : vector<1x16xf32> to vector<16xf32>
        %add3A_467 = arith.addf %scan3A_455, %get3A_466 : vector<16xf32>
        %get3A_468 = arith.index_cast %add3A_458 : i32 to index
        %get3A_469 = arith.constant 32 : index
        %get3A_470 = tpu.vector_load %arg6[%get3A_468, %get3A_469] {strides = array<i32>} : memref<1600x64xf32, #tpu.memory_space<vmem>>, vector<1x16xf32>,
        %get3A_471 = vector.shape_cast %get3A_470 : vector<1x16xf32> to vector<16xf32>
        %add3A_472 = arith.addf %scan3A_456, %get3A_471 : vector<16xf32>
        %get3A_473 = arith.index_cast %add3A_458 : i32 to index
        %get3A_474 = arith.constant 48 : index
        %get3A_475 = tpu.vector_load %arg6[%get3A_473, %get3A_474] {strides = array<i32>} : memref<1600x64xf32, #tpu.memory_space<vmem>>, vector<1x16xf32>,
        %get3A_476 = vector.shape_cast %get3A_475 : vector<1x16xf32> to vector<16xf32>
        %add3A_477 = arith.addf %scan3A_457, %get3A_476 : vector<16xf32>
        scf.yield %add3A_462, %add3A_467, %add3A_472, %add3A_477 : vector<16xf32>, vector<16xf32>, vector<16xf32>, vector<16xf32>
      }
      %scan3A_421 = arith.constant 50 : i32
      %mul3A_422 = arith.constant 2.000000e-02 : f32
      %mul3A_423 = vector.broadcast %mul3A_422 : f32 to vector<16xf32>
      %mul3A_424 = arith.mulf %scan3A_420#0, %mul3A_423 : vector<16xf32>
      %swap3A = arith.index_cast %scan3A_406 : i32 to index
      %swap3A_425 = arith.constant 0 : index
      %swap3A_426 = tpu.vector_load %arg7[%swap3A, %swap3A_425] {strides = array<i32>} : memref<32x64xf32, #tpu.memory_space<vmem>>, vector<1x16xf32>,
      %swap3A_427 = vector.shape_cast %swap3A_426 : vector<1x16xf32> to vector<16xf32>
      %swap3A_428 = vector.shape_cast %mul3A_424 : vector<16xf32> to vector<1x16xf32>
      tpu.vector_store %arg7[%swap3A, %swap3A_425], %swap3A_428 {strides = array<i32>} : memref<32x64xf32, #tpu.memory_space<vmem>>, vector<1x16xf32>,
      %mul3A_429 = arith.constant 2.000000e-02 : f32
      %mul3A_430 = vector.broadcast %mul3A_429 : f32 to vector<16xf32>
      %mul3A_431 = arith.mulf %scan3A_420#1, %mul3A_430 : vector<16xf32>
      %swap3A_432 = arith.index_cast %scan3A_406 : i32 to index
      %swap3A_433 = arith.constant 16 : index
      %swap3A_434 = tpu.vector_load %arg7[%swap3A_432, %swap3A_433] {strides = array<i32>} : memref<32x64xf32, #tpu.memory_space<vmem>>, vector<1x16xf32>,
      %swap3A_435 = vector.shape_cast %swap3A_434 : vector<1x16xf32> to vector<16xf32>
      %swap3A_436 = vector.shape_cast %mul3A_431 : vector<16xf32> to vector<1x16xf32>
      tpu.vector_store %arg7[%swap3A_432, %swap3A_433], %swap3A_436 {strides = array<i32>} : memref<32x64xf32, #tpu.memory_space<vmem>>, vector<1x16xf32>,
      %mul3A_437 = arith.constant 2.000000e-02 : f32
      %mul3A_438 = vector.broadcast %mul3A_437 : f32 to vector<16xf32>
      %mul3A_439 = arith.mulf %scan3A_420#2, %mul3A_438 : vector<16xf32>
      %swap3A_440 = arith.index_cast %scan3A_406 : i32 to index
      %swap3A_441 = arith.constant 32 : index
      %swap3A_442 = tpu.vector_load %arg7[%swap3A_440, %swap3A_441] {strides = array<i32>} : memref<32x64xf32, #tpu.memory_space<vmem>>, vector<1x16xf32>,
      %swap3A_443 = vector.shape_cast %swap3A_442 : vector<1x16xf32> to vector<16xf32>
      %swap3A_444 = vector.shape_cast %mul3A_439 : vector<16xf32> to vector<1x16xf32>
      tpu.vector_store %arg7[%swap3A_440, %swap3A_441], %swap3A_444 {strides = array<i32>} : memref<32x64xf32, #tpu.memory_space<vmem>>, vector<1x16xf32>,
      %mul3A_445 = arith.constant 2.000000e-02 : f32
      %mul3A_446 = vector.broadcast %mul3A_445 : f32 to vector<16xf32>
      %mul3A_447 = arith.mulf %scan3A_420#3, %mul3A_446 : vector<16xf32>
      %swap3A_448 = arith.index_cast %scan3A_406 : i32 to index
      %swap3A_449 = arith.constant 48 : index
      %swap3A_450 = tpu.vector_load %arg7[%swap3A_448, %swap3A_449] {strides = array<i32>} : memref<32x64xf32, #tpu.memory_space<vmem>>, vector<1x16xf32>,
      %swap3A_451 = vector.shape_cast %swap3A_450 : vector<1x16xf32> to vector<16xf32>
      %swap3A_452 = vector.shape_cast %mul3A_447 : vector<16xf32> to vector<1x16xf32>
      tpu.vector_store %arg7[%swap3A_448, %swap3A_449], %swap3A_452 {strides = array<i32>} : memref<32x64xf32, #tpu.memory_space<vmem>>, vector<1x16xf32>,
    }
    %scan3A_403 = arith.constant 32 : i32
    %mul3A_404 = arith.constant 32 : i32
    %mul3A_405 = arith.muli %add3A, %mul3A_404 : i32
    "tpu.region"() ({
      %run_scoped3A = tpu.sem_alloc : memref<!tpu.dma_semaphore, #tpu.memory_space<semaphore_mem>>
      %dma_start3A_406 = arith.constant 0 : i32
      %dma_start3A_407 = tpu.memref_slice %arg4[%mul3A_405, %dma_start3A_406] : memref<1024x64xf32, #tpu.memory_space<hbm>> -> memref<32x64xf32, #tpu.memory_space<hbm>>
      %dma_start3A_408 = arith.constant 0 : i32
      %dma_start3A_409 = tpu.memref_slice %arg4[%mul3A_405, %dma_start3A_408] : memref<1024x64xf32, #tpu.memory_space<hbm>> -> memref<32x64xf32, #tpu.memory_space<hbm>>
      tpu.enqueue_dma source(%arg7 : memref<32x64xf32, #tpu.memory_space<vmem>>) target(%dma_start3A_409 : memref<32x64xf32, #tpu.memory_space<hbm>>) target_semaphore(%run_scoped3A : memref<!tpu.dma_semaphore, #tpu.memory_space<semaphore_mem>>)
      %dma_wait3A_410 = arith.constant 0 : i32
      %dma_wait3A_411 = tpu.memref_slice %arg4[%mul3A_405, %dma_wait3A_410] : memref<1024x64xf32, #tpu.memory_space<hbm>> -> memref<32x64xf32, #tpu.memory_space<hbm>>
      %dma_wait3A_412 = arith.constant 0 : i32
      %dma_wait3A_413 = tpu.memref_slice %arg4[%mul3A_405, %dma_wait3A_412] : memref<1024x64xf32, #tpu.memory_space<hbm>> -> memref<32x64xf32, #tpu.memory_space<hbm>>
      tpu.wait_dma2 semaphore(%run_scoped3A : memref<!tpu.dma_semaphore, #tpu.memory_space<semaphore_mem>>) src(%arg7 : memref<32x64xf32, #tpu.memory_space<vmem>>) dst(%dma_wait3A_413 : memref<32x64xf32, #tpu.memory_space<hbm>>)
      tpu.yield
    }) : () -> ()
    return
  }
}

module attributes {stable_mosaic.version = 14 : i64} {
  func.func @body(%arg0: i32, %arg1: memref<1024x64xf32, #tpu.memory_space<vmem>>, %arg2: memref<56x64xf32, #tpu.memory_space<vmem>>, %arg3: memref<8x64xf32, #tpu.memory_space<vmem>>, %arg4: memref<64x2048xf32, #tpu.memory_space<vmem>>, %arg5: memref<2048xf32, #tpu.memory_space<vmem>>, %arg6: memref<1024x2048xf32, #tpu.memory_space<vmem>>, %arg7: memref<1024x64xf32, #tpu.memory_space<vmem>>) attributes {dimension_semantics = [#tpu.dimension_semantics<arbitrary>], iteration_bounds = array<i64: 49>, scalar_prefetch = 0 : i64, scratch_operands = 1 : i64, tpu.core_type = #tpu.core_type<tc>, window_params = [{pipeline_mode = #tpu.pipeline_mode<synchronous>, transform_indices = @transform_0, window_bounds = array<i64: 1024, 64>}, {pipeline_mode = #tpu.pipeline_mode<synchronous>, transform_indices = @transform_1, window_bounds = array<i64: 56, 64>}, {pipeline_mode = #tpu.pipeline_mode<synchronous>, transform_indices = @transform_2, window_bounds = array<i64: 8, 64>}, {transform_indices = @transform_3, window_bounds = array<i64: 64, 2048>}, {transform_indices = @transform_4, window_bounds = array<i64: 2048>}, {transform_indices = @transform_5, window_bounds = array<i64: 1024, 2048>}]} {
    %eq3A = arith.constant 0 : i32
    %eq3A_0 = arith.cmpi eq, %arg0, %eq3A : i32
    %convert_element_type3A = arith.extui %eq3A_0 : i1 to i32
    %cond3A = arith.constant 0 : i32
    %cond3A_1 = arith.cmpi ne, %convert_element_type3A, %cond3A : i32
    scf.if %cond3A_1 {
      %get3A_13 = arith.constant 0 : index
      %get3A_14 = arith.constant 0 : index
      %get3A_15 = vector.load %arg2[%get3A_13, %get3A_14] : memref<56x64xf32, #tpu.memory_space<vmem>>, vector<56x64xf32>
      %reduce_sum3A = arith.constant dense<0.000000e+00> : vector<64xf32>
      %reduce_sum3A_16 = vector.multi_reduction <add>, %get3A_15, %reduce_sum3A [0] : vector<56x64xf32> to vector<64xf32>
      %mul3A = arith.constant 2.000000e-02 : f32
      %mul3A_17 = vector.broadcast %mul3A : f32 to vector<64xf32>
      %mul3A_18 = arith.mulf %reduce_sum3A_16, %mul3A_17 : vector<64xf32>
      %get3A_19 = arith.constant 0 : index
      %get3A_20 = arith.constant 0 : index
      %get3A_21 = vector.load %arg1[%get3A_19, %get3A_20] : memref<1024x64xf32, #tpu.memory_space<vmem>>, vector<1024x64xf32>
      %broadcast_in_dim3A_22 = vector.shape_cast %mul3A_18 : vector<64xf32> to vector<1x64xf32>
      %add3A_23 = vector.broadcast %broadcast_in_dim3A_22 : vector<1x64xf32> to vector<1024x64xf32>
      %add3A_24 = arith.addf %get3A_21, %add3A_23 : vector<1024x64xf32>
      %reduce_sum3A_25 = arith.constant dense<0.000000e+00> : vector<1024xf32>
      %reduce_sum3A_26 = vector.multi_reduction <add>, %add3A_24, %reduce_sum3A_25 [1] : vector<1024x64xf32> to vector<1024xf32>
      %broadcast_in_dim3A_27 = vector.shape_cast %reduce_sum3A_26 : vector<1024xf32> to vector<1024x1xf32>
      %div3A = arith.constant 6.400000e+01 : f32
      %div3A_28 = vector.broadcast %div3A : f32 to vector<1024x1xf32>
      %div3A_29 = arith.divf %broadcast_in_dim3A_27, %div3A_28 : vector<1024x1xf32>
      %sub3A = vector.broadcast %div3A_29 : vector<1024x1xf32> to vector<1024x64xf32>
      %sub3A_30 = arith.subf %add3A_24, %sub3A : vector<1024x64xf32>
      %square3A = arith.mulf %sub3A_30, %sub3A_30 : vector<1024x64xf32>
      %reduce_sum3A_31 = arith.constant dense<0.000000e+00> : vector<1024xf32>
      %reduce_sum3A_32 = vector.multi_reduction <add>, %square3A, %reduce_sum3A_31 [1] : vector<1024x64xf32> to vector<1024xf32>
      %broadcast_in_dim3A_33 = vector.shape_cast %reduce_sum3A_32 : vector<1024xf32> to vector<1024x1xf32>
      %div3A_34 = arith.constant 6.400000e+01 : f32
      %div3A_35 = vector.broadcast %div3A_34 : f32 to vector<1024x1xf32>
      %div3A_36 = arith.divf %broadcast_in_dim3A_33, %div3A_35 : vector<1024x1xf32>
      %add3A_37 = arith.constant 9.99999974E-6 : f32
      %add3A_38 = vector.broadcast %add3A_37 : f32 to vector<1024x1xf32>
      %add3A_39 = arith.addf %div3A_36, %add3A_38 : vector<1024x1xf32>
      %rsqrt3A = math.rsqrt %add3A_39 : vector<1024x1xf32>
      %sub3A_40 = vector.broadcast %div3A_29 : vector<1024x1xf32> to vector<1024x64xf32>
      %sub3A_41 = arith.subf %add3A_24, %sub3A_40 : vector<1024x64xf32>
      %mul3A_42 = vector.broadcast %rsqrt3A : vector<1024x1xf32> to vector<1024x64xf32>
      %mul3A_43 = arith.mulf %sub3A_41, %mul3A_42 : vector<1024x64xf32>
      %get3A_44 = arith.constant 0 : index
      %get3A_45 = arith.constant 0 : index
      %get3A_46 = vector.load %arg3[%get3A_44, %get3A_45] : memref<8x64xf32, #tpu.memory_space<vmem>>, vector<1x64xf32>
      %get3A_47 = vector.shape_cast %get3A_46 : vector<1x64xf32> to vector<64xf32>
      %broadcast_in_dim3A_48 = vector.shape_cast %get3A_47 : vector<64xf32> to vector<1x64xf32>
      %mul3A_49 = vector.broadcast %broadcast_in_dim3A_48 : vector<1x64xf32> to vector<1024x64xf32>
      %mul3A_50 = arith.mulf %mul3A_43, %mul3A_49 : vector<1024x64xf32>
      %get3A_51 = arith.constant 1 : index
      %get3A_52 = arith.constant 0 : index
      %get3A_53 = vector.load %arg3[%get3A_51, %get3A_52] : memref<8x64xf32, #tpu.memory_space<vmem>>, vector<1x64xf32>
      %get3A_54 = vector.shape_cast %get3A_53 : vector<1x64xf32> to vector<64xf32>
      %broadcast_in_dim3A_55 = vector.shape_cast %get3A_54 : vector<64xf32> to vector<1x64xf32>
      %add3A_56 = vector.broadcast %broadcast_in_dim3A_55 : vector<1x64xf32> to vector<1024x64xf32>
      %add3A_57 = arith.addf %mul3A_50, %add3A_56 : vector<1024x64xf32>
      %swap3A_58 = arith.constant 0 : index
      %swap3A_59 = arith.constant 0 : index
      %swap3A_60 = vector.load %arg7[%swap3A_58, %swap3A_59] : memref<1024x64xf32, #tpu.memory_space<vmem>>, vector<1024x64xf32>
      tpu.vector_store %arg7[%swap3A_58, %swap3A_59], %add3A_57 {strides = array<i32>} : memref<1024x64xf32, #tpu.memory_space<vmem>>, vector<1024x64xf32>,
    } else {
    }
    %get3A = arith.constant 0 : index
    %get3A_2 = arith.constant 0 : index
    %get3A_3 = vector.load %arg7[%get3A, %get3A_2] : memref<1024x64xf32, #tpu.memory_space<vmem>>, vector<1024x64xf32>
    %get3A_4 = arith.constant 0 : index
    %get3A_5 = arith.constant 0 : index
    %get3A_6 = vector.load %arg4[%get3A_4, %get3A_5] : memref<64x2048xf32, #tpu.memory_space<vmem>>, vector<64x2048xf32>
    %dot_general3A = arith.constant dense<0.000000e+00> : vector<1024x2048xf32>
    %dot_general3A_7 = tpu.matmul %get3A_3, %get3A_6, %dot_general3A {dimension_numbers = #tpu.dot_dimension_numbers<[1], [0], [0], [1], [0, 0, 1, 1], [], []>, transpose_lhs_hint = false} : vector<1024x64xf32>, vector<64x2048xf32>, vector<1024x2048xf32> -> vector<1024x2048xf32>
    %get3A_8 = arith.constant 0 : index
    %get3A_9 = vector.load %arg5[%get3A_8] : memref<2048xf32, #tpu.memory_space<vmem>>, vector<2048xf32>
    %broadcast_in_dim3A = vector.shape_cast %get3A_9 : vector<2048xf32> to vector<1x2048xf32>
    %add3A = vector.broadcast %broadcast_in_dim3A : vector<1x2048xf32> to vector<1024x2048xf32>
    %add3A_10 = arith.addf %dot_general3A_7, %add3A : vector<1024x2048xf32>
    %swap3A = arith.constant 0 : index
    %swap3A_11 = arith.constant 0 : index
    %swap3A_12 = vector.load %arg6[%swap3A, %swap3A_11] : memref<1024x2048xf32, #tpu.memory_space<vmem>>, vector<1024x2048xf32>
    tpu.vector_store %arg6[%swap3A, %swap3A_11], %add3A_10 {strides = array<i32>} : memref<1024x2048xf32, #tpu.memory_space<vmem>>, vector<1024x2048xf32>,
    return
  }
  func.func @transform_0(%arg0: i32) -> (i32, i32) {
    %c0_i32 = arith.constant 0 : i32
    %c0_i32_0 = arith.constant 0 : i32
    %c0_i32_1 = arith.constant 0 : i32
    return %c0_i32, %c0_i32_0 : i32, i32
  }
  func.func @transform_1(%arg0: i32) -> (i32, i32) {
    %c0_i32 = arith.constant 0 : i32
    %c0_i32_0 = arith.constant 0 : i32
    %c0_i32_1 = arith.constant 0 : i32
    return %c0_i32, %c0_i32_0 : i32, i32
  }
  func.func @transform_2(%arg0: i32) -> (i32, i32) {
    %c0_i32 = arith.constant 0 : i32
    %c0_i32_0 = arith.constant 0 : i32
    %c0_i32_1 = arith.constant 0 : i32
    return %c0_i32, %c0_i32_0 : i32, i32
  }
  func.func @transform_3(%arg0: i32) -> (i32, i32) {
    %c0_i32 = arith.constant 0 : i32
    %c0_i32_0 = arith.constant 0 : i32
    return %c0_i32, %arg0 : i32, i32
  }
  func.func @transform_4(%arg0: i32) -> i32 {
    %c0_i32 = arith.constant 0 : i32
    return %arg0 : i32
  }
  func.func @transform_5(%arg0: i32) -> (i32, i32) {
    %c0_i32 = arith.constant 0 : i32
    %c0_i32_0 = arith.constant 0 : i32
    return %c0_i32, %arg0 : i32, i32
  }
}

</mosaic_0001>

<sc_bundles>
// kernel: kernel.4.cloned.1.call-start
scs
__scs_entry_jumppad:
0x0: {  	(pc) =	sbr.rel $0x88, $3  }
0x1: {  	(tag) =	ssettag $0x0;
	lr =	simm.s32 $0x1  }
0x2: {  	[smem:$0x3F9A] =	sst lr;
	_ =	strace $0xD0000000  }
0x3: {  	_ = 	snop  }
0x4: {  	_ = 	snop  }
0x5: {  	_ = 	snop  }
0x6: {  	_ = 	snop  }
0x7: {  	_ = 	snop  }
__scs_overlays_trampoline_lowered:
0x8: {  	[smem:$0x3FA9] =	sst s0  }
0x9: {  	[smem:$0x3FAA] =	sst s1  }
0xa: {  	[smem:$0x3FAB] =	sst s2  }
0xb: {  	[smem:$0x3FAC] =	sst s3  }
0xc: {  	[smem:$0x3FAD] =	sst s4  }
0xd: {  	[smem:$0x3FAE] =	sst s5  }
0xe: {  	[smem:$0x3FAF] =	sst s6  }
0xf: {  	[smem:$0x3FB0] =	sst s7  }
0x10: {  	[smem:$0x3FB1] =	sst s8  }
0x11: {  	[smem:$0x3FB2] =	sst s9;
	s0 =	simm.s32 @!p0 $0x0  }
0x12: {  	s1 =	sld [smem:$0x3F98];
	s0 =	simm.s32 @p0 $0x1  }
0x13: {  	[smem:$0x3FB3] =	sst s0;
	s0 =	simm.s32 @!p1 $0x0  }
0x14: {  	s2 =	sld [smem:$0x3F97];
	s0 =	simm.s32 @p1 $0x1  }
0x15: {  	[smem:$0x3FB4] =	sst s0;
	s0 =	simm.s32 @!p2 $0x0  }
0x16: {  	s3 =	sld [smem:$0x3FDB];
	s0 =	simm.s32 @p2 $0x1  }
0x17: {  	s4 =	simm.s32 $0x1BF5;
	[smem:$0x3FB6] =	sst s0  }
0x18: {  	s0 =	sld [smem:$0x3F99];
	_ =	swait.ge [sflag:s4], $0x0  }
0x19: {  	s7 =	sld [smem:$0x3F9A]  }
0x1a: {  	s8 =	sadd.s32 $0xFFFFE003, lr  }
0x1b: {  	s9 =	sadd.s32 $0xFFFFFEF7, lr;
	s5 =	simm.s32 $0xFFFFFFFF;
	p2 =	slt.u32 s8, $0xFFFFF086  }
0x1c: {  	p1 =	slt.u32 s9, $0xF7A;
	s5 =	simm.s32 @!p2 $0x0  }
0x1d: {  	s5 =	simm.s32 @p1 $0x1;
	p0 =	seq.s32 s7, s2  }
0x1e: {  	s7 =	smul.u32 @!p0 $0xF7A, s2;
	p2 =	seq.s32 @!p0 s5, $0x0  }
0x1f: {  	s9 =	smul.u32 $0xF7A, s1;
	s8 =	simm.s32 @!p0 $0x1BF5;
	p2 =	por !p2, p0  }
0x20: {  	[sflag:s8] =	ssyncset.s32 @!p0 $0xFFFFF086;
	s6 =	sadd.s32 @!p0 s3, s7;
	s7 =	simm.s32 @!p0 $0x108  }
0x21: {  	s3 =	sadd.s32 s3, s9;
	s6 =	sadd.s32 @!p0 $0x88, s6;
	s7 =	simm.s32 @p2 $0x1082  }
0x22: {  	[simem:s7], [sflag:s8] =	dma.local @!p0 [hbm:s6], $0xF7A  }
0x23: {  	s9 =	sor.u32 $0xD0000000, s2;
	s6 =	simm.s32 $0x108;
	_ =	swait.ge @!p0 [sflag:s8], $0x0  }
0x24: {  	s3 =	sadd.s32 $0x88, s3;
	s6 =	simm.s32 @!p1 $0x1082;
	[sflag:s4] =	ssyncset.s32 $0xFFFFF086  }
0x25: {  	[simem:s6], [sflag:s4] =	dma.local [hbm:s3], $0xF7A  }
0x26: {  	[smem:$0x3F9A] =	sst s1;
	(tag) =	ssettag s2;
	_ =	strace s9  }
0x27: {  	s1 =	sld [smem:$0x3FAA]  }
0x28: {  	s2 =	sld [smem:$0x3FAB]  }
0x29: {  	s4 =	sld [smem:$0x3FAD]  }
0x2a: {  	p0 =	seq.s32 s5, $0x0;
	s5 =	sld [smem:$0x3FAE]  }
0x2b: {  	s6 =	sld [smem:$0x3FAF]  }
0x2c: {  	s7 =	sld [smem:$0x3FB0]  }
0x2d: {  	s3 =	simm.s32 $0x108;
	s8 =	sld [smem:$0x3FB1]  }
0x2e: {  	s3 =	simm.s32 @!p0 $0x1082;
	s9 =	sld [smem:$0x3FB2]  }
0x2f: {  	lr =	sadd.s32 s0, s3;
	s0 =	sld [smem:$0x3FA9]  }
0x30: {  	s3 =	sld [smem:$0x3FAC]  }
0x31: {  	[smem:$0x3FB5] =	sst s10  }
0x32: {  	s10 =	sld [smem:$0x3FB3];
	_ =	sdelay $0x3  }
0x33: {  	p0 =	seq.s32 s10, $0x1;
	s10 =	sld [smem:$0x3FB5];
	_ =	sdelay $0x3  }
0x34: {  	[smem:$0x3FB5] =	sst s10  }
0x35: {  	s10 =	sld [smem:$0x3FB4];
	_ =	sdelay $0x3  }
0x36: {  	p1 =	seq.s32 s10, $0x1;
	s10 =	sld [smem:$0x3FB5];
	_ =	sdelay $0x3  }
0x37: {  	[smem:$0x3FB5] =	sst s10  }
0x38: {  	s10 =	sld [smem:$0x3FB6]  }
0x39: {  	_ = 	snop;
	(pc) =	sbr.ind lr, $3  }
0x3a: {  	_ = 	snop  }
0x3b: {  	_ = 	snop  }
0x3c: {  	p2 =	seq.s32 s10, $0x1;
	s10 =	sld [smem:$0x3FB5]  }
0x3d: {  	_ =	shalt  }
0x3e: {  	_ =	shalt  }
0x3f: {  	_ =	shalt  }
0x40: {  	_ =	shalt  }
0x41: {  	_ =	shalt  }
0x42: {  	_ =	shalt  }
0x43: {  	_ =	shalt  }
0x44: {  	_ =	shalt  }
0x45: {  	_ =	shalt  }
0x46: {  	_ =	shalt  }
0x47: {  	_ =	shalt  }
0x48: {  	_ =	shalt  }
0x49: {  	_ =	shalt  }
0x4a: {  	_ =	shalt  }
0x4b: {  	_ =	shalt  }
0x4c: {  	_ =	shalt  }
0x4d: {  	_ =	shalt  }
0x4e: {  	_ =	shalt  }
0x4f: {  	_ =	shalt  }
0x50: {  	_ =	shalt  }
0x51: {  	_ =	shalt  }
0x52: {  	_ =	shalt  }
0x53: {  	_ =	shalt  }
0x54: {  	_ =	shalt  }
0x55: {  	_ =	shalt  }
0x56: {  	_ =	shalt  }
0x57: {  	_ =	shalt  }
0x58: {  	_ =	shalt  }
0x59: {  	_ =	shalt  }
0x5a: {  	_ =	shalt  }
0x5b: {  	_ =	shalt  }
0x5c: {  	_ =	shalt  }
0x5d: {  	_ =	shalt  }
0x5e: {  	_ =	shalt  }
0x5f: {  	_ =	shalt  }
0x60: {  	_ =	shalt  }
0x61: {  	_ =	shalt  }
0x62: {  	_ =	shalt  }
0x63: {  	_ =	shalt  }
0x64: {  	_ =	shalt  }
0x65: {  	_ =	shalt  }
0x66: {  	_ =	shalt  }
0x67: {  	_ =	shalt  }
0x68: {  	_ =	shalt  }
0x69: {  	_ =	shalt  }
0x6a: {  	_ =	shalt  }
0x6b: {  	_ =	shalt  }
0x6c: {  	_ =	shalt  }
0x6d: {  	_ =	shalt  }
0x6e: {  	_ =	shalt  }
0x6f: {  	_ =	shalt  }
0x70: {  	_ =	shalt  }
0x71: {  	_ =	shalt  }
0x72: {  	_ =	shalt  }
0x73: {  	_ =	shalt  }
0x74: {  	_ =	shalt  }
0x75: {  	_ =	shalt  }
0x76: {  	_ =	shalt  }
0x77: {  	_ =	shalt  }
0x78: {  	_ =	shalt  }
0x79: {  	_ =	shalt  }
0x7a: {  	_ =	shalt  }
0x7b: {  	_ =	shalt  }
0x7c: {  	_ =	shalt  }
0x7d: {  	_ =	shalt  }
0x7e: {  	_ =	shalt  }
0x7f: {  	_ =	shalt  }
0x80: {  	_ =	shalt  }
0x81: {  	_ =	shalt  }
0x82: {  	_ =	shalt  }
0x83: {  	_ =	shalt  }
0x84: {  	_ =	shalt  }
0x85: {  	_ =	shalt  }
0x86: {  	_ =	shalt  }
0x87: {  	_ =	shalt  }
.Lfunc_end0:
.L_simem_size_0:
called_computation_lowered:
.L_overlay_start_0:
0x88: {  	s2 =	sld [smem:$0x3FD9]  }
0x89: {  	s3 =	sld [smem:$0x3FFE];
	_ =	sdelay $0x1  }
0x8a: {  	s1 =	srdreg.scid  }
0x8b: {  	s0 =	sand.u32 $0x1, s1  }
0x8c: {  	s17 =	sshll.u32 s0, $0xA;
	s2 =	sadd.s32 s3, s2  }
0x8d: {  	s2 =	sadd.s32 s2, s17  }
0x8e: {  	[smem:$0x3FC1] =	sst s2  }
0x8f: {  	_ = 	snop  }
0x90: {  	s2 =	sld [smem:$0x3FD0];
	(tm) =	ssettm $0x1  }
0x91: {  	s18 =	sld [smem:$0x3FFB];
	_ =	sdelay $0x3  }
0x92: {  	_ =	strace s18  }
0x93: {  	s3 =	sld [smem:$0x3FFC];
	_ =	sdelay $0x3  }
0x94: {  	_ =	strace s3  }
0x95: {  	s3 =	sld [smem:$0x3FFD];
	_ =	sdelay $0x3  }
0x96: {  	_ =	strace s3  }
0x97: {  	_ =	strace $0x8FFFFFFF  }
0x98: {  	s19 =	sld [smem:$0x3FDB];
	_ =	sdelay $0x1  }
0x99: {  	s4 =	simm.s32 $_scs_section_size  }
0x9a: {  	s5 =	simm.s32 $_size__tile_overlayer_lowered;
	s6 =	simm.s32 $_tile_overlayer_lowered  }
0x9b: {  	s22 =	simm.s32 $0x1BFF;
	s21 =	sshll.u32 s6, $0x1;
	s3 =	sadd.s32 s4, s19  }
0x9c: {  	s7 =	simm.s32 $0x0;
	s20 =	sshll.u32 s5, $0x1;
	s5 =	sadd.s32 s21, s3  }
0x9d: {  	[timem:s7], [sflag:s22] =	dma.local [hbm:s5], s20  }
0x9e: {  	_ =	swait.ge [sflag:s22], s20  }
0x9f: {  	s4 =	ssub.s32 $0x0, s20;
	[sflag:s22] =	ssyncset.done $0x0  }
0xa0: {  	[sflag:s22] =	ssyncadd.s32 s4;
	_ =	sdelay $0x1  }
0xa1: {  	s23 =	simm.s32 $0x1B8B  }
0xa2: {  	_ =	swait.ge [sflag:s23], $0x1  }
0xa3: {  	[sflag:s23] =	ssyncset.done $0x0  }
0xa4: {  	s25 =	simm.s32 $0x1B8E;
	s24 =	sld [smem:$0x3FFE];
	[sflag:s23] =	ssyncadd.s32 $0xFFFFFFFF  }
0xa5: {  	s26 =	simm.s32 $execute0_lowered;
	[smem:$0x3FD2] =	sst s25  }
0xa6: {  	s5 =	sshll.u32 s26, $0x1;
	_ =	strace $0x80000046;
	[dreg:$0x1] =	wrdreg $0xFFFFFFFF  }
0xa7: {  	s28 =	simm.s32 $_size_execute0_lowered;
	s3 =	sadd.s32 s3, s5;
	[dreg:$0x0] =	wrdreg $0x0  }
0xa8: {  	s5 =	sshll.u32 s28, $0x1;
	[dreg:$0x2] =	wrdreg s3  }
0xa9: {  	[dreg:$0x3] =	wrdreg s5  }
0xaa: {  	[dreg:$0x4] =	wrdreg $0xC0  }
0xab: {  	_ =	task [dreg:s7], $0x5FFFF  }
0xac: {  	[dreg:$0x1] =	wrdreg $0xFFFFFFFF  }
0xad: {  	[dreg:$0x0] =	wrdreg $0x60  }
0xae: {  	[dreg:$0x2] =	wrdreg s24  }
0xaf: {  	[dreg:$0x3] =	wrdreg s2  }
0xb0: {  	[dreg:$0x4] =	wrdreg $0x9  }
0xb1: {  	_ =	task.clear_ibuf [dreg:s7], $0x5FFFF;
	_ =	strace $0x90000046  }
0xb2: {  	s29 =	simm.s32 $0x9;
	_ =	strace $0x80000048  }
0xb3: {  	_ =	swait.ge [sflag:s29], $0x1  }
0xb4: {  	[sflag:s29] =	ssyncadd.s32 $0xFFFFFFFF  }
0xb5: {  	_ =	strace $0x90000048  }
0xb6: {  	_ =	sfence  }
0xb7: {  	s30 =	sld [smem:$0x0];
	_ =	sdelay $0x2  }
0xb8: {  	s31 =	sshll.u32 s1, $0xD;
	s1 =	sshrl.u32 s1, $0x2  }
0xb9: {  	s3 =	sand.u32 $0x4000, s31;
	s1 =	sadd.s32 s1, s30  }
0xba: {  	s0 =	sor.u32 s3, s0;
	s1 =	sshll.u32 s1, $0x11  }
0xbb: {  	s0 =	sor.u32 s1, s0  }
0xbc: {  	s0 =	sadd.s32 $0x8F2B, s0  }
0xbd: {  	[sflag:s0] =	ssyncadd.remote.s32 $0x1  }
0xbe: {  	_ =	sfence.sel $0xFFFF  }
0xbf: {  	[dreg:$0x0] =	wrdreg $0xFFFFFFFF;
	(pc) =	sbr.abs _section_cstart, $3  }
0xc0: {  	[dreg:$0x1] =	wrdreg $0xFFFFFFFF  }
0xc1: {  	_ =	task.clear_ibuf [dreg:s7], $0x2FFFF;
	_ =	strace $0x9FFFFFFF  }
0xc2: {  	(tm) =	ssettm $0x7FFFFFFF  }
0xc3: {  	_ =	shalt  }
tec
execute0_lowered:
.L_overlay_start_1:
0x0: {  	(tag) =	ssettag $0x1  }
0x1: {  	s0 =	rddreg [dreg:$0x0]  }
0x2: {  	s1 =	srdreg.scid;
	s2 =	stileid.u32  }
0x3: {  	s5 =	rddreg [dreg:$0x1];
	s7 =	simm.s32 $0x2;
	s8 =	simm.s32 $0x50  }
0x4: {  	s31 =	simm.s32 $0xE240;
	s9 =	simm.s32 $0x410;
	s10 =	simm.s32 $0x10A40  }
0x5: {  	s11 =	simm.s32 $0x460;
	s12 =	simm.s32 $0x11E40;
	s13 =	simm.s32 $0x4B0  }
0x6: {  	s14 =	simm.s32 $0x13240;
	s15 =	simm.s32 $0x500;
	s16 =	simm.s32 $0x14640  }
0x7: {  	s17 =	simm.s32 $0x550;
	s18 =	simm.s32 $0x15A40;
	s19 =	simm.s32 $0x5A0  }
0x8: {  	s20 =	simm.s32 $0x16E40;
	s21 =	simm.s32 $0x5F0;
	s22 =	simm.s32 $0x18240  }
0x9: {  	s23 =	simm.s32 $0x1;
	s1 =	sand.u32 $0x1, s1;
	s3 =	sshll.u32 s2, $0x1  }
0xa: {  	s24 =	simm.s32 $0x19640;
	s2 =	simm.s32 $0x0;
	s6 =	sor.u32 s1, s3  }
0xb: {  	s25 =	simm.s32 $0x0;
	[smem:$0x7FF] =	sst s2;
	s3 =	smul.u32 $0xC8, s6  }
0xc: {  	s1 =	ssub.s32 $0x2, s1;
	_ =	strace $0x80000047;
	s30 =	sshll.u32 s6, $0x8  }
0xd: {  	s29 =	sshrl.u32 s1, $0x1;
	s5 =	sadd.s32 s5, s30;
	s4 =	sadd.s32 s3, s0  }
0xe: {  	s3 =	sadd.s32 $0x2600, s0;
	s0 =	ssub.s32 s1, s29;
	s1 =	simm.s32 $0x3C0  }
0xf: {  	s4 =	sadd.s32 $0xC00, s4;
	s6 =	smax.u32 s0, $0x1;
	s0 =	simm.s32 $0xF640  }
.LBB2_1:
0x10: {  	[tilespmem:s2], [sflag:$0x2] =	stream.linear.gather [hbm4b:s4+s2], $0x640, $0x38;
	[tilespmem:$0x19E40] =	vst v63  }
0x11: {  	_ =	swait.ge [sflag:s7], $0x640  }
0x12: {  	[sflag:s7] =	ssyncset.done $0x0  }
0x13: {  	s26 =	simm.s32 $0x640;
	[sflag:s7] =	ssyncadd.s32 $0xFFFFF9C0  }
0x14: {  	[tilespmem:s26], [sflag:$0x1] =	stream.indirect.gather [hbm4b:s3+s8], $0x40, s2, s8, $0xb8;
	[tilespmem:$0x19E40] =	vst v63  }
0x15: {  	s30 =	simm.s32 $0x1A40  }
0x16: {  	[tilespmem:s30], [sflag:$0x1] =	stream.indirect.gather [hbm4b:s3+s8], $0x40, s8, s8, $0xb8;
	[tilespmem:$0x19E40] =	vst v63  }
0x17: {  	s29 =	simm.s32 $0xA0;
	s28 =	simm.s32 $0x2E40  }
0x18: {  	[tilespmem:s28], [sflag:$0x1] =	stream.indirect.gather [hbm4b:s3+s8], $0x40, s29, s8, $0xb8;
	[tilespmem:$0x19E40] =	vst v63  }
0x19: {  	s30 =	simm.s32 $0xF0;
	s28 =	simm.s32 $0x4240  }
0x1a: {  	[tilespmem:s28], [sflag:$0x1] =	stream.indirect.gather [hbm4b:s3+s8], $0x40, s30, s8, $0xb8;
	[tilespmem:$0x19E40] =	vst v63  }
0x1b: {  	s29 =	simm.s32 $0x140;
	s28 =	simm.s32 $0x5640  }
0x1c: {  	[tilespmem:s28], [sflag:$0x1] =	stream.indirect.gather [hbm4b:s3+s8], $0x40, s29, s8, $0xb8;
	[tilespmem:$0x19E40] =	vst v63  }
0x1d: {  	s30 =	simm.s32 $0x190;
	s28 =	simm.s32 $0x6A40  }
0x1e: {  	[tilespmem:s28], [sflag:$0x1] =	stream.indirect.gather [hbm4b:s3+s8], $0x40, s30, s8, $0xb8;
	[tilespmem:$0x19E40] =	vst v63  }
0x1f: {  	s29 =	simm.s32 $0x1E0;
	s28 =	simm.s32 $0x7E40  }
0x20: {  	[tilespmem:s28], [sflag:$0x1] =	stream.indirect.gather [hbm4b:s3+s8], $0x40, s29, s8, $0xb8;
	[tilespmem:$0x19E40] =	vst v63  }
0x21: {  	s30 =	simm.s32 $0x230;
	s28 =	simm.s32 $0x9240  }
0x22: {  	[tilespmem:s28], [sflag:$0x1] =	stream.indirect.gather [hbm4b:s3+s8], $0x40, s30, s8, $0xb8;
	[tilespmem:$0x19E40] =	vst v63  }
0x23: {  	s29 =	simm.s32 $0x280;
	s28 =	simm.s32 $0xA640  }
0x24: {  	[tilespmem:s28], [sflag:$0x1] =	stream.indirect.gather [hbm4b:s3+s8], $0x40, s29, s8, $0xb8;
	[tilespmem:$0x19E40] =	vst v63  }
0x25: {  	s30 =	simm.s32 $0x2D0;
	s28 =	simm.s32 $0xBA40  }
0x26: {  	[tilespmem:s28], [sflag:$0x1] =	stream.indirect.gather [hbm4b:s3+s8], $0x40, s30, s8, $0xb8;
	[tilespmem:$0x19E40] =	vst v63  }
0x27: {  	s29 =	simm.s32 $0x320;
	s28 =	simm.s32 $0xCE40  }
0x28: {  	[tilespmem:s28], [sflag:$0x1] =	stream.indirect.gather [hbm4b:s3+s8], $0x40, s29, s8, $0xb8;
	[tilespmem:$0x19E40] =	vst v63  }
0x29: {  	s30 =	simm.s32 $0x370  }
0x2a: {  	[tilespmem:s31], [sflag:$0x1] =	stream.indirect.gather [hbm4b:s3+s8], $0x40, s30, s8, $0xb8;
	[tilespmem:$0x19E40] =	vst v63  }
0x2b: {  	_ = 	snop  }
0x2c: {  	[tilespmem:s0], [sflag:$0x1] =	stream.indirect.gather [hbm4b:s3+s8], $0x40, s1, s8, $0xb8;
	[tilespmem:$0x19E40] =	vst v63  }
0x2d: {  	_ = 	snop  }
0x2e: {  	[tilespmem:s10], [sflag:$0x1] =	stream.indirect.gather [hbm4b:s3+s8], $0x40, s9, s8, $0xb8;
	[tilespmem:$0x19E40] =	vst v63  }
0x2f: {  	_ = 	snop  }
0x30: {  	[tilespmem:s12], [sflag:$0x1] =	stream.indirect.gather [hbm4b:s3+s8], $0x40, s11, s8, $0xb8;
	[tilespmem:$0x19E40] =	vst v63  }
0x31: {  	_ = 	snop  }
0x32: {  	[tilespmem:s14], [sflag:$0x1] =	stream.indirect.gather [hbm4b:s3+s8], $0x40, s13, s8, $0xb8;
	[tilespmem:$0x19E40] =	vst v63  }
0x33: {  	_ = 	snop  }
0x34: {  	[tilespmem:s16], [sflag:$0x1] =	stream.indirect.gather [hbm4b:s3+s8], $0x40, s15, s8, $0xb8;
	[tilespmem:$0x19E40] =	vst v63  }
0x35: {  	_ = 	snop  }
0x36: {  	[tilespmem:s18], [sflag:$0x1] =	stream.indirect.gather [hbm4b:s3+s8], $0x40, s17, s8, $0xb8;
	[tilespmem:$0x19E40] =	vst v63  }
0x37: {  	_ = 	snop  }
0x38: {  	[tilespmem:s20], [sflag:$0x1] =	stream.indirect.gather [hbm4b:s3+s8], $0x40, s19, s8, $0xb8;
	[tilespmem:$0x19E40] =	vst v63  }
0x39: {  	_ = 	snop  }
0x3a: {  	[tilespmem:s22], [sflag:$0x1] =	stream.indirect.gather [hbm4b:s3+s8], $0x40, s21, s8, $0xb8;
	[tilespmem:$0x19E40] =	vst v63  }
0x3b: {  	_ =	swait.ge [sflag:s23], $0x1400  }
0x3c: {  	[sflag:s23] =	ssyncset.done $0x0  }
0x3d: {  	[sflag:s23] =	ssyncadd.s32 $0xFFFFEC00  }
0x3e: {  	_ =	swait.ge [sflag:s23], $0x1400  }
0x3f: {  	[sflag:s23] =	ssyncset.done $0x0  }
0x40: {  	[sflag:s23] =	ssyncadd.s32 $0xFFFFEC00  }
0x41: {  	_ =	swait.ge [sflag:s23], $0x1400  }
0x42: {  	[sflag:s23] =	ssyncset.done $0x0  }
0x43: {  	[sflag:s23] =	ssyncadd.s32 $0xFFFFEC00  }
0x44: {  	_ =	swait.ge [sflag:s23], $0x1400  }
0x45: {  	[sflag:s23] =	ssyncset.done $0x0  }
0x46: {  	[sflag:s23] =	ssyncadd.s32 $0xFFFFEC00  }
0x47: {  	_ =	swait.ge [sflag:s23], $0x1400  }
0x48: {  	[sflag:s23] =	ssyncset.done $0x0  }
0x49: {  	[sflag:s23] =	ssyncadd.s32 $0xFFFFEC00  }
0x4a: {  	_ =	swait.ge [sflag:s23], $0x1400  }
0x4b: {  	[sflag:s23] =	ssyncset.done $0x0  }
0x4c: {  	[sflag:s23] =	ssyncadd.s32 $0xFFFFEC00  }
0x4d: {  	_ =	swait.ge [sflag:s23], $0x1400  }
0x4e: {  	[sflag:s23] =	ssyncset.done $0x0  }
0x4f: {  	[sflag:s23] =	ssyncadd.s32 $0xFFFFEC00  }
0x50: {  	_ =	swait.ge [sflag:s23], $0x1400  }
0x51: {  	[sflag:s23] =	ssyncset.done $0x0  }
0x52: {  	[sflag:s23] =	ssyncadd.s32 $0xFFFFEC00  }
0x53: {  	_ =	swait.ge [sflag:s23], $0x1400  }
0x54: {  	[sflag:s23] =	ssyncset.done $0x0  }
0x55: {  	[sflag:s23] =	ssyncadd.s32 $0xFFFFEC00  }
0x56: {  	_ =	swait.ge [sflag:s23], $0x1400  }
0x57: {  	[sflag:s23] =	ssyncset.done $0x0  }
0x58: {  	[sflag:s23] =	ssyncadd.s32 $0xFFFFEC00  }
0x59: {  	_ =	swait.ge [sflag:s23], $0x1400  }
0x5a: {  	[sflag:s23] =	ssyncset.done $0x0  }
0x5b: {  	[sflag:s23] =	ssyncadd.s32 $0xFFFFEC00  }
0x5c: {  	_ =	swait.ge [sflag:s23], $0x1400  }
0x5d: {  	[sflag:s23] =	ssyncset.done $0x0  }
0x5e: {  	[sflag:s23] =	ssyncadd.s32 $0xFFFFEC00  }
0x5f: {  	_ =	swait.ge [sflag:s23], $0x1400  }
0x60: {  	[sflag:s23] =	ssyncset.done $0x0  }
0x61: {  	[sflag:s23] =	ssyncadd.s32 $0xFFFFEC00  }
0x62: {  	_ =	swait.ge [sflag:s23], $0x1400  }
0x63: {  	[sflag:s23] =	ssyncset.done $0x0  }
0x64: {  	[sflag:s23] =	ssyncadd.s32 $0xFFFFEC00  }
0x65: {  	_ =	swait.ge [sflag:s23], $0x1400  }
0x66: {  	[sflag:s23] =	ssyncset.done $0x0  }
0x67: {  	[sflag:s23] =	ssyncadd.s32 $0xFFFFEC00  }
0x68: {  	_ =	swait.ge [sflag:s23], $0x1400  }
0x69: {  	[sflag:s23] =	ssyncset.done $0x0  }
0x6a: {  	[sflag:s23] =	ssyncadd.s32 $0xFFFFEC00  }
0x6b: {  	_ =	swait.ge [sflag:s23], $0x1400  }
0x6c: {  	[sflag:s23] =	ssyncset.done $0x0  }
0x6d: {  	[sflag:s23] =	ssyncadd.s32 $0xFFFFEC00  }
0x6e: {  	_ =	swait.ge [sflag:s23], $0x1400  }
0x6f: {  	[sflag:s23] =	ssyncset.done $0x0  }
0x70: {  	[sflag:s23] =	ssyncadd.s32 $0xFFFFEC00  }
0x71: {  	_ =	swait.ge [sflag:s23], $0x1400  }
0x72: {  	[sflag:s23] =	ssyncset.done $0x0  }
0x73: {  	[sflag:s23] =	ssyncadd.s32 $0xFFFFEC00  }
0x74: {  	_ =	swait.ge [sflag:s23], $0x1400  }
0x75: {  	[sflag:s23] =	ssyncset.done $0x0  }
0x76: {  	s26 =	simm.s32 $0x660;
	s28 =	simm.s32 $0x0;
	[sflag:s23] =	ssyncadd.s32 $0xFFFFEC00  }
.LBB2_2:
0x77: {  	v2 =	vmov s26;
	_ =	sdelay $0x3  }
0x78: {  	s30 =	simm.s32 $0x0  }
0x79: {  	v0 =	vld.idx.msk [tilespmem:v2+s30+$0x10 ss:$0x1], $0xffff  }
0x7a: {  	v3 =	vld.idx.msk [tilespmem:v2+s30+$0xFFFFFFE0 ss:$0x1], $0xffff  }
0x7b: {  	v1 =	vimm.f32 $0.0e+00;
	v4 =	vld.idx.msk [tilespmem:v2+s30+$0xFFFFFFF0 ss:$0x1], $0xffff  }
0x7c: {  	s29 =	simm.s32 $0x100;
	v6 =	vimm.f32 $0.0e+00;
	v7 =	vimm.f32 $0.0e+00;
	v8 =	vimm.f32 $0.0e+00;
	v5 =	vld.idx.msk [tilespmem:v2+s30+$0x0 ss:$0x1], $0xffff  }
.LBB2_3:
0x7d: {  	p0 =	sne.s32 s29, $0x3100  }
.Ltmp0:
0x7e: {  	s30 =	sshra.s32 s29, $0x2;
	s29 =	sadd.s32 $0x100, s29;
	(pc) =	sbr.rel @p0 .LBB2_3-.Ltmp0, $4  }
0x7f: {  	v1 =	vadd.f32 v0, v1;
	v0 =	vld.idx.msk [tilespmem:v2+s30+$0x10 ss:$0x1], $0xffff  }
0x80: {  	v6 =	vadd.f32 v3, v6;
	v3 =	vld.idx.msk [tilespmem:v2+s30+$0xFFFFFFE0 ss:$0x1], $0xffff  }
0x81: {  	v7 =	vadd.f32 v4, v7;
	v4 =	vld.idx.msk [tilespmem:v2+s30+$0xFFFFFFF0 ss:$0x1], $0xffff  }
0x82: {  	v8 =	vadd.f32 v5, v8;
	v5 =	vld.idx.msk [tilespmem:v2+s30+$0x0 ss:$0x1], $0xffff  }
0x83: {  	_ = 	snop  }
0x84: {  	v0 =	vadd.f32 v0, v1  }
0x85: {  	s29 =	sshll.u32 s28, $0x6;
	s28 =	sadd.s32 $0x1, s28;
	v2 =	vadd.f32 v3, v6  }
0x86: {  	p0 =	sne.s32 s28, $0x20;
	v60 =	vadd.f32 v4, v7;
	v0 =	vmul.f32 $1.999999960e-02, v0  }
.Ltmp1:
0x87: {  	s29 =	sand.u32 $0x3FFFFFC0, s29;
	v61 =	vadd.f32 v5, v8;
	v2 =	vmul.f32 $1.999999960e-02, v2;
	(pc) =	sbr.rel @p0 .LBB2_2-.Ltmp1, $4  }
0x88: {  	v62 =	vmul.f32 $1.999999960e-02, v60;
	[tilespmem:s29+$0x19670] =	vst v0  }
0x89: {  	[tilespmem:s29+$0x19640] =	vst v2;
	v63 =	vmul.f32 $1.999999960e-02, v61  }
0x8a: {  	[tilespmem:s29+$0x19650] =	vst v62  }
0x8b: {  	s26 =	sadd.s32 $0xC80, s26;
	[tilespmem:s29+$0x19660] =	vst v63  }
0x8c: {  	s25 =	sadd.s32 $0x1, s25  }
0x8d: {  	p0 =	sne.s32 s25, s6  }
.Ltmp2:
0x8e: {  	_ = 	snop;
	(pc) =	sbr.rel @p0 .LBB2_1-.Ltmp2, $4  }
0x8f: {  	[hbm4b:s5+s2] =	stream.linear.scatter [tilespmem:s24], [sflag:$0x2], $0x800, $0x38;
	[tilespmem:$0x19E40] =	vst v63  }
0x90: {  	_ =	swait.ge [sflag:s7], $0x800  }
0x91: {  	[sflag:s7] =	ssyncset.done $0x0  }
0x92: {  	[sflag:s7] =	ssyncadd.s32 $0xFFFFF800  }
0x93: {  	_ =	sfence.sel $0x180000  }
0x94: {  	[bflag:$0x0] =	sbarrier.arrive $0xFFFF  }
0x95: {  	_ =	strace $0x90000047  }
0x96: {  	s0 =	stileid.u32;
	[bflag:$0x2] =	sbarrier.arrive $0xFFFF  }
0x97: {  	p0 =	sne.s32 s0, $0x0;
	s0 =	rddreg [dreg:$0x2]  }
0x98: {  	s0 =	sadd.s32 @!p0 $0x100000, s0  }
0x99: {  	[sflag:s0] =	ssyncadd.tile.s32 @!p0 $0x1;
	_ =	shalt  }
.Lfunc_end2:
_tile_overlayer_lowered:
.L_overlay_start_2:
0x9a: {  	(tag) =	ssettag $0x2  }
0x9b: {  	s0 =	rddreg [dreg:$0x0];
	s2 =	stileid.u32  }
0x9c: {  	s1 =	rddreg [dreg:$0x1];
	p0 =	sne.s32 s2, $0x0  }
0x9d: {  	s3 =	rddreg [dreg:$0x2];
	[bflag:$0x3] =	sbarrier.arrive $0xFFFF;
	s2 =	simm.s32 @!p0 $0x1C02  }
0x9e: {  	[timem:s3], [sflag:s2] =	dma.local @!p0 [hbm:s0], s1  }
0x9f: {  	s0 =	simm.s32 @!p0 $0x2  }
0xa0: {  	_ =	swait.ge @!p0 [sflag:s0], s1  }
0xa1: {  	s1 =	ssub.s32 @!p0 $0x0, s1;
	[sflag:s0] =	ssyncset.done @!p0 $0x0  }
0xa2: {  	[sflag:s0] =	ssyncadd.s32 @!p0 s1  }
0xa3: {  	[bflag:$0x3] =	sbarrier.arrive $0xFFFF  }
0xa4: {  	_ =	shalt  }

</sc_bundles>
